<compile_context>
chip_gen: v7x
topology: tpu7x:2x2x1
jax: 0.10.2.dev20260603
libtpu: 0.0.44.dev20260713+nightly
codegen_flags: <defaults>
</compile_context>

<pallas_src>
import jax
import jax.numpy as jnp
from jax import lax
from jax.experimental import pallas as pl
from jax.experimental.pallas import tpu as pltpu
from jax.experimental.pallas import tpu_sc as plsc

N = 10000
E = 320000
D = 128
NC = 2
NS = 16
NW = NC * NS
ROWS = E // 128
NP = 10240
NPER = NP // NS
CPW = 80

import numpy as _np
_bounds = [w * ROWS // NW for w in range(NW + 1)]
_row_map = _np.concatenate([
    _np.concatenate([_np.arange(_bounds[w], _bounds[w + 1], dtype=_np.int32),
                     _np.full(CPW - (_bounds[w + 1] - _bounds[w]), -1,
                              _np.int32)])
    for w in range(NW)])
_REAL = _row_map >= 0
_SAFE = _np.where(_REAL, _row_map, 0).astype(_np.int32)
_rr = _np.arange(NW * CPW, dtype=_np.int32)[:, None]
_ll = _np.arange(128, dtype=_np.int32)[None, :]
_TRASH2D = (N + (_rr * 13 + _ll) % (NP - N)).astype(_np.int32)
_SRCDUMMY2D = ((_rr * 37 + _ll * 101) % N).astype(_np.int32)

_MESH = plsc.VectorSubcoreMesh(
    core_axis_name="c", subcore_axis_name="s", num_cores=NC, num_subcores=NS
)


def _make_sc_agg(with_cnt: bool):
  out_type = [jax.ShapeDtypeStruct((NC, NP, D), jnp.float32)]
  if with_cnt:
    out_type.append(jax.ShapeDtypeStruct((NC, NP), jnp.float32))

  scratch = [
      pltpu.VMEM((128,), jnp.int32),
      pltpu.VMEM((128,), jnp.int32),
      pltpu.VMEM((128,), jnp.int32),
      pltpu.VMEM((128,), jnp.int32),
      pltpu.VMEM((128, D), jnp.float32),
      pltpu.VMEM((128, D), jnp.float32),
      pltpu.VMEM((128,), jnp.float32),
      pltpu.VMEM_SHARED((NP, D), jnp.float32),
      pltpu.VMEM_SHARED((NP,), jnp.float32),
  ] + [pltpu.SemaphoreType.DMA] * 5

  def body(x_hbm, src_hbm, dst_hbm, zeros_hbm, zeros_n_hbm, ones_hbm, *rest):
    if with_cnt:
      agg_out, cnt_out = rest[0], rest[1]
      rest = rest[2:]
    else:
      agg_out, cnt_out = rest[0], None
      rest = rest[1:]
    (sidx0, sidx1, didx0, didx1, rows0, rows1, ones_v, agg_sh, cnt_sh,
     g0, g1, s0, s1, csem) = rest
    sidx = (sidx0, sidx1)
    didx = (didx0, didx1)
    rows = (rows0, rows1)
    g_sems = (g0, g1)

    cid = lax.axis_index("c")
    sid = lax.axis_index("s")
    wid = sid * NC + cid
    lo = wid * CPW

    pltpu.sync_copy(zeros_hbm.at[pl.ds(sid * NPER, NPER)],
                    agg_sh.at[pl.ds(sid * NPER, NPER)])
    if with_cnt:
      pltpu.sync_copy(zeros_n_hbm.at[pl.ds(sid * NPER, NPER)],
                      cnt_sh.at[pl.ds(sid * NPER, NPER)])
      pltpu.sync_copy(ones_hbm, ones_v)
    plsc.subcore_barrier()

    def stage(j, b):
      pltpu.sync_copy(src_hbm.at[pl.ds((lo + j) * 128, 128)], sidx[b])
      pltpu.sync_copy(dst_hbm.at[pl.ds((lo + j) * 128, 128)], didx[b])

    def fire_gather(b):
      pltpu.async_copy(x_hbm.at[sidx[b]], rows[b], g_sems[b])

    def wait_gather(b):
      pltpu.make_async_copy(x_hbm.at[sidx[b]], rows[b], g_sems[b]).wait()

    s_sems = (s0, s1)

    def fire_scatter(b):
      pltpu.async_copy(rows[b], agg_sh.at[didx[b]], s_sems[b], add=True)
      if with_cnt:
        pltpu.async_copy(ones_v, cnt_sh.at[didx[b]], csem, add=True)

    def wait_scatter(b):
      pltpu.make_async_copy(rows[b], agg_sh.at[didx[b]], s_sems[b]).wait()

    def wait_cnt():
      if with_cnt:
        pltpu.make_async_copy(ones_v, cnt_sh.at[didx0], csem).wait()

    stage(0, 0)
    fire_gather(0)
    wait_gather(0)
    fire_scatter(0)
    stage(1, 1)
    fire_gather(1)

    def pair(i, carry):
      j = 2 * i + 1
      wait_gather(1)
      fire_scatter(1)
      wait_scatter(0)
      wait_cnt()
      stage(j + 1, 0)
      fire_gather(0)
      wait_gather(0)
      fire_scatter(0)
      wait_scatter(1)
      wait_cnt()
      stage(j + 2, 1)
      fire_gather(1)
      return carry

    lax.fori_loop(0, (CPW - 2) // 2, pair, 0)

    wait_gather(1)
    fire_scatter(1)
    wait_scatter(0)
    wait_cnt()
    wait_scatter(1)
    wait_cnt()
    plsc.subcore_barrier()

    pltpu.sync_copy(agg_sh.at[pl.ds(sid * NPER, NPER)],
                    agg_out.at[cid, pl.ds(sid * NPER, NPER)])
    if with_cnt:
      pltpu.sync_copy(cnt_sh.at[pl.ds(sid * NPER, NPER)],
                      cnt_out.at[cid, pl.ds(sid * NPER, NPER)])

  return pl.kernel(body, out_type=tuple(out_type), mesh=_MESH,
                   scratch_types=scratch,
                   compiler_params=pltpu.CompilerParams(
                       use_tc_tiling_on_sc=False))


_sc_agg_cnt = _make_sc_agg(with_cnt=True)
_sc_agg = _make_sc_agg(with_cnt=False)

BN = 1000


def _tc_layer1_body(a0, a1, c0, c1, x, wl, wr, b, o):
  c = jnp.maximum(c0[...] + c1[...], 1.0)
  m = (a0[...] + a1[...]) / c
  acc = jnp.dot(m, wl[...], preferred_element_type=jnp.float32)
  acc += jnp.dot(x[...], wr[...], preferred_element_type=jnp.float32)
  o[...] = jnp.maximum(acc + b[...], 0.0)


def _tc_layer2_body(a0, a1, c0, c1, x, wl, wr, b, lw, lb, o):
  c = jnp.maximum(c0[...] + c1[...], 1.0)
  m = (a0[...] + a1[...]) / c
  acc = jnp.dot(m, wl[...], preferred_element_type=jnp.float32)
  acc += jnp.dot(x[...], wr[...], preferred_element_type=jnp.float32)
  h = jnp.maximum(acc + b[...], 0.0)
  o[...] = jnp.dot(h, lw[...], preferred_element_type=jnp.float32) + lb[...]


_ROW_SPEC = pl.BlockSpec((BN, D), lambda i: (i, 0))
_CNT_SPEC = pl.BlockSpec((BN, 1), lambda i: (i, 0))
_W_SPEC = pl.BlockSpec((D, D), lambda i: (0, 0))
_B_SPEC = pl.BlockSpec((1, D), lambda i: (0, 0))

_tc_layer1 = pl.pallas_call(
    _tc_layer1_body,
    grid=(N // BN,),
    in_specs=[_ROW_SPEC, _ROW_SPEC, _CNT_SPEC, _CNT_SPEC, _ROW_SPEC,
              _W_SPEC, _W_SPEC, _B_SPEC],
    out_specs=_ROW_SPEC,
    out_shape=jax.ShapeDtypeStruct((N, D), jnp.float32),
)

_tc_layer2 = pl.pallas_call(
    _tc_layer2_body,
    grid=(N // BN,),
    in_specs=[_ROW_SPEC, _ROW_SPEC, _CNT_SPEC, _CNT_SPEC, _ROW_SPEC,
              _W_SPEC, _W_SPEC, _B_SPEC,
              pl.BlockSpec((D, 1), lambda i: (0, 0)),
              pl.BlockSpec((1, 1), lambda i: (0, 0))],
    out_specs=pl.BlockSpec((BN, 1), lambda i: (i, 0)),
    out_shape=jax.ShapeDtypeStruct((N, 1), jnp.float32),
)


def kernel(x, edge_index, W1l, W1r, b1, W2l, W2r, b2, lin_W, lin_b):
  src2d = edge_index[0].reshape(ROWS, 128)
  dst2d = edge_index[1].reshape(ROWS, 128)
  real = jnp.asarray(_REAL)[:, None]
  src_r = jnp.where(real, src2d[jnp.asarray(_SAFE)],
                    jnp.asarray(_SRCDUMMY2D)).reshape(-1)
  dst_r = jnp.where(real, dst2d[jnp.asarray(_SAFE)],
                    jnp.asarray(_TRASH2D)).reshape(-1)
  zeros = jnp.zeros((NP, D), jnp.float32)
  zeros_n = jnp.zeros((NP,), jnp.float32)
  ones = jnp.ones((128,), jnp.float32)

  agg1, cnt = _sc_agg_cnt(x, src_r, dst_r, zeros, zeros_n, ones)
  c0 = cnt[0, :N].reshape(N, 1)
  c1 = cnt[1, :N].reshape(N, 1)
  h1 = _tc_layer1(agg1[0, :N], agg1[1, :N], c0, c1, x, W1l, W1r,
                  b1.reshape(1, D))

  (agg2,) = _sc_agg(h1, src_r, dst_r, zeros, zeros_n, ones)
  out = _tc_layer2(agg2[0, :N], agg2[1, :N], c0, c1, h1, W2l, W2r,
                   b2.reshape(1, D), lin_W, lin_b.reshape(1, 1))
  return out

# --- scband reference (transcript-rebuilt; emitter-appended) ---
"""Pipeline reference for scband-graph-sagemodel-34600256537252 (READ-ONLY COPY).

The authoritative reference and input builder live on the scoring server;
editing this copy changes nothing except your own understanding.
"""

import jax, jax.numpy as jnp
import numpy as np

N = 10000
E = 320000
D = 128
H = 128
O = 1


def setup_inputs(seed: int = 0) -> dict:
    key = jax.random.key(seed)
    ks = jax.random.split(key, 12)
    x = jax.random.normal(ks[0], (N, D), dtype=jnp.float32)
    edge_index = jax.random.randint(ks[1], (2, E), 0, N, dtype=jnp.int32)
    W1l = jax.random.normal(ks[2], (D, H), dtype=jnp.float32) / np.sqrt(D)
    W1r = jax.random.normal(ks[3], (D, H), dtype=jnp.float32) / np.sqrt(D)
    b1 = jnp.zeros((H,), dtype=jnp.float32)
    W2l = jax.random.normal(ks[4], (H, H), dtype=jnp.float32) / np.sqrt(H)
    W2r = jax.random.normal(ks[5], (H, H), dtype=jnp.float32) / np.sqrt(H)
    b2 = jnp.zeros((H,), dtype=jnp.float32)
    lin_W = jax.random.normal(ks[6], (H, O), dtype=jnp.float32) / np.sqrt(H)
    lin_b = jnp.zeros((O,), dtype=jnp.float32)
    return {"x": x, "edge_index": edge_index, "W1l": W1l, "W1r": W1r, "b1": b1,
            "W2l": W2l, "W2r": W2r, "b2": b2, "lin_W": lin_W, "lin_b": lin_b}


def _sage_conv(x, src, dst, Wl, Wr, b):
    # PyG SAGEConv: out = mean_aggr(x_j) @ W_l + x_i @ W_r + b
    msg = jnp.take(x, src, axis=0)                                   # gather [E, d]
    agg = jax.ops.segment_sum(msg, dst, num_segments=N)              # scatter-add [N, d]
    cnt = jax.ops.segment_sum(jnp.ones((src.shape[0],), jnp.float32), dst, num_segments=N)
    mean = agg / jnp.maximum(cnt, 1.0)[:, None]
    return mean @ Wl + x @ Wr + b


def reference(x, edge_index, W1l, W1r, b1, W2l, W2r, b2, lin_W, lin_b):
    src = edge_index[0]
    dst = edge_index[1]
    h = jax.nn.relu(_sage_conv(x, src, dst, W1l, W1r, b1))
    h = jax.nn.relu(_sage_conv(h, src, dst, W2l, W2r, b2))
    return h @ lin_W + lin_b

if __name__ == "__main__":
    import jax
    _d = setup_inputs()
    print(jax.jit(kernel)(*tuple(_d.values())))

</pallas_src>

<mosaic_0001>
#map = affine_map<(d0, d1) -> (0, 0)>
#map1 = affine_map<(d0, d1) -> (0)>
#map2 = affine_map<(d0, d1) -> (0, 0, 0)>
module attributes {stable_mosaic.version = 14 : i64} {
  func.func @body(%arg0: i32, %arg1: i32, %arg2: memref<10000x128xf32, #tpu.memory_space<hbm>>, %arg3: memref<327680xi32, #tpu.memory_space<hbm>>, %arg4: memref<327680xi32, #tpu.memory_space<hbm>>, %arg5: memref<10240x128xf32, #tpu.memory_space<hbm>>, %arg6: memref<10240xf32, #tpu.memory_space<hbm>>, %arg7: memref<128xf32, #tpu.memory_space<hbm>>, %arg8: memref<2x10240x128xf32, #tpu.memory_space<hbm>>, %arg9: memref<128xi32, #tpu.memory_space<vmem>>, %arg10: memref<128xi32, #tpu.memory_space<vmem>>, %arg11: memref<128xi32, #tpu.memory_space<vmem>>, %arg12: memref<128xi32, #tpu.memory_space<vmem>>, %arg13: memref<128x128xf32, #tpu.memory_space<vmem>>, %arg14: memref<128x128xf32, #tpu.memory_space<vmem>>, %arg15: memref<128xf32, #tpu.memory_space<vmem>>, %arg16: memref<10240x128xf32, #tpu.memory_space<vmem_shared>>, %arg17: memref<10240xf32, #tpu.memory_space<vmem_shared>>, %arg18: memref<!tpu.dma_semaphore, #tpu.memory_space<semaphore_mem>>, %arg19: memref<!tpu.dma_semaphore, #tpu.memory_space<semaphore_mem>>, %arg20: memref<!tpu.dma_semaphore, #tpu.memory_space<semaphore_mem>>, %arg21: memref<!tpu.dma_semaphore, #tpu.memory_space<semaphore_mem>>, %arg22: memref<!tpu.dma_semaphore, #tpu.memory_space<semaphore_mem>>) attributes {dimension_semantics = [#tpu.dimension_semantics<core_parallel>, #tpu.dimension_semantics<subcore_parallel>], iteration_bounds = array<i64: 2, 16>, scalar_prefetch = 0 : i64, scratch_operands = 14 : i64, tpu.core_type = #tpu.core_type<sc_vector_subcore>, window_params = [{transform_indices = #map}, {transform_indices = #map1}, {transform_indices = #map1}, {transform_indices = #map}, {transform_indices = #map1}, {transform_indices = #map1}, {transform_indices = #map2}]} {
    %mul3A = arith.constant 2 : i32
    %mul3A_0 = arith.muli %arg1, %mul3A : i32
    %add3A = arith.addi %mul3A_0, %arg0 : i32
    %mul3A_1 = arith.constant 80 : i32
    %mul3A_2 = arith.muli %add3A, %mul3A_1 : i32
    %mul3A_3 = arith.constant 640 : i32
    %mul3A_4 = arith.muli %arg1, %mul3A_3 : i32
    %mul3A_5 = arith.constant 640 : i32
    %mul3A_6 = arith.muli %arg1, %mul3A_5 : i32
    "tpu.region"() ({
      %run_scoped3A = tpu.sem_alloc : memref<!tpu.dma_semaphore, #tpu.memory_space<semaphore_mem>>
      %dma_start3A_55 = arith.constant 0 : i32
      %dma_start3A_56 = tpu.memref_slice %arg16[%mul3A_6, %dma_start3A_55] : memref<10240x128xf32, #tpu.memory_space<vmem_shared>> -> memref<640x128xf32, #tpu.memory_space<vmem_shared>>
      %dma_start3A_57 = arith.constant 0 : i32
      %dma_start3A_58 = tpu.memref_slice %arg5[%mul3A_4, %dma_start3A_57] : memref<10240x128xf32, #tpu.memory_space<hbm>> -> memref<640x128xf32, #tpu.memory_space<hbm>>
      tpu.enqueue_dma source(%dma_start3A_58 : memref<640x128xf32, #tpu.memory_space<hbm>>) target(%dma_start3A_56 : memref<640x128xf32, #tpu.memory_space<vmem_shared>>) target_semaphore(%run_scoped3A : memref<!tpu.dma_semaphore, #tpu.memory_space<semaphore_mem>>)
      %dma_wait3A_59 = arith.constant 0 : i32
      %dma_wait3A_60 = tpu.memref_slice %arg16[%mul3A_6, %dma_wait3A_59] : memref<10240x128xf32, #tpu.memory_space<vmem_shared>> -> memref<640x128xf32, #tpu.memory_space<vmem_shared>>
      %dma_wait3A_61 = arith.constant 0 : i32
      %dma_wait3A_62 = tpu.memref_slice %arg5[%mul3A_4, %dma_wait3A_61] : memref<10240x128xf32, #tpu.memory_space<hbm>> -> memref<640x128xf32, #tpu.memory_space<hbm>>
      tpu.wait_dma2 semaphore(%run_scoped3A : memref<!tpu.dma_semaphore, #tpu.memory_space<semaphore_mem>>) src(%dma_wait3A_62 : memref<640x128xf32, #tpu.memory_space<hbm>>) dst(%dma_wait3A_60 : memref<640x128xf32, #tpu.memory_space<vmem_shared>>)
      tpu.yield
    }) : () -> ()
    %barrier3A = arith.constant 0 : index
    tpu.barrier barrier_id(%barrier3A)
    %add3A_7 = arith.constant 0 : i32
    %add3A_8 = arith.addi %mul3A_2, %add3A_7 : i32
    %mul3A_9 = arith.constant 128 : i32
    %mul3A_10 = arith.muli %add3A_8, %mul3A_9 : i32
    "tpu.region"() ({
      %run_scoped3A = tpu.sem_alloc : memref<!tpu.dma_semaphore, #tpu.memory_space<semaphore_mem>>
      %dma_start3A_55 = tpu.memref_slice %arg3[%mul3A_10] : memref<327680xi32, #tpu.memory_space<hbm>> -> memref<128xi32, #tpu.memory_space<hbm>>
      %dma_start3A_56 = tpu.memref_slice %arg3[%mul3A_10] : memref<327680xi32, #tpu.memory_space<hbm>> -> memref<128xi32, #tpu.memory_space<hbm>>
      tpu.enqueue_dma source(%dma_start3A_56 : memref<128xi32, #tpu.memory_space<hbm>>) target(%arg9 : memref<128xi32, #tpu.memory_space<vmem>>) target_semaphore(%run_scoped3A : memref<!tpu.dma_semaphore, #tpu.memory_space<semaphore_mem>>)
      %dma_wait3A_57 = tpu.memref_slice %arg3[%mul3A_10] : memref<327680xi32, #tpu.memory_space<hbm>> -> memref<128xi32, #tpu.memory_space<hbm>>
      %dma_wait3A_58 = tpu.memref_slice %arg3[%mul3A_10] : memref<327680xi32, #tpu.memory_space<hbm>> -> memref<128xi32, #tpu.memory_space<hbm>>
      tpu.wait_dma2 semaphore(%run_scoped3A : memref<!tpu.dma_semaphore, #tpu.memory_space<semaphore_mem>>) src(%dma_wait3A_58 : memref<128xi32, #tpu.memory_space<hbm>>) dst(%arg9 : memref<128xi32, #tpu.memory_space<vmem>>)
      tpu.yield
    }) : () -> ()
    %add3A_11 = arith.constant 0 : i32
    %add3A_12 = arith.addi %mul3A_2, %add3A_11 : i32
    %mul3A_13 = arith.constant 128 : i32
    %mul3A_14 = arith.muli %add3A_12, %mul3A_13 : i32
    "tpu.region"() ({
      %run_scoped3A = tpu.sem_alloc : memref<!tpu.dma_semaphore, #tpu.memory_space<semaphore_mem>>
      %dma_start3A_55 = tpu.memref_slice %arg4[%mul3A_14] : memref<327680xi32, #tpu.memory_space<hbm>> -> memref<128xi32, #tpu.memory_space<hbm>>
      %dma_start3A_56 = tpu.memref_slice %arg4[%mul3A_14] : memref<327680xi32, #tpu.memory_space<hbm>> -> memref<128xi32, #tpu.memory_space<hbm>>
      tpu.enqueue_dma source(%dma_start3A_56 : memref<128xi32, #tpu.memory_space<hbm>>) target(%arg11 : memref<128xi32, #tpu.memory_space<vmem>>) target_semaphore(%run_scoped3A : memref<!tpu.dma_semaphore, #tpu.memory_space<semaphore_mem>>)
      %dma_wait3A_57 = tpu.memref_slice %arg4[%mul3A_14] : memref<327680xi32, #tpu.memory_space<hbm>> -> memref<128xi32, #tpu.memory_space<hbm>>
      %dma_wait3A_58 = tpu.memref_slice %arg4[%mul3A_14] : memref<327680xi32, #tpu.memory_space<hbm>> -> memref<128xi32, #tpu.memory_space<hbm>>
      tpu.wait_dma2 semaphore(%run_scoped3A : memref<!tpu.dma_semaphore, #tpu.memory_space<semaphore_mem>>) src(%dma_wait3A_58 : memref<128xi32, #tpu.memory_space<hbm>>) dst(%arg11 : memref<128xi32, #tpu.memory_space<vmem>>)
      tpu.yield
    }) : () -> ()
    %dma_start3A = arith.constant 0 : i32
    %dma_start3A_15 = arith.constant 0 : i32
    %dma_start3A_16 = tpu.memref_slice %arg2[%dma_start3A, %dma_start3A_15] : memref<10000x128xf32, #tpu.memory_space<hbm>> -> memref<10000x128xf32, #tpu.memory_space<hbm>>
    tpu.enqueue_indirect_dma source(%dma_start3A_16 : memref<10000x128xf32, #tpu.memory_space<hbm>>) target(%arg13 : memref<128x128xf32, #tpu.memory_space<vmem>>) offsets(%arg9 : memref<128xi32, #tpu.memory_space<vmem>>) semaphore(%arg18 : memref<!tpu.dma_semaphore, #tpu.memory_space<semaphore_mem>>)
    %dma_wait3A = arith.constant 0 : i32
    %dma_wait3A_17 = arith.constant 0 : i32
    %dma_wait3A_18 = tpu.memref_slice %arg2[%dma_wait3A, %dma_wait3A_17] : memref<10000x128xf32, #tpu.memory_space<hbm>> -> memref<10000x128xf32, #tpu.memory_space<hbm>>
    tpu.wait_indirect_dma semaphore(%arg18 : memref<!tpu.dma_semaphore, #tpu.memory_space<semaphore_mem>>) src(%dma_wait3A_18 : memref<10000x128xf32, #tpu.memory_space<hbm>>) dst(%arg13 : memref<128x128xf32, #tpu.memory_space<vmem>>)
    %dma_start3A_19 = arith.constant 0 : i32
    %dma_start3A_20 = arith.constant 0 : i32
    %dma_start3A_21 = tpu.memref_slice %arg16[%dma_start3A_19, %dma_start3A_20] : memref<10240x128xf32, #tpu.memory_space<vmem_shared>> -> memref<10240x128xf32, #tpu.memory_space<vmem_shared>>
    tpu.enqueue_indirect_dma source(%arg13 : memref<128x128xf32, #tpu.memory_space<vmem>>) target(%dma_start3A_21 : memref<10240x128xf32, #tpu.memory_space<vmem_shared>>) offsets(%arg11 : memref<128xi32, #tpu.memory_space<vmem>>) semaphore(%arg20 : memref<!tpu.dma_semaphore, #tpu.memory_space<semaphore_mem>>) {add = true}
    %add3A_22 = arith.constant 1 : i32
    %add3A_23 = arith.addi %mul3A_2, %add3A_22 : i32
    %mul3A_24 = arith.constant 128 : i32
    %mul3A_25 = arith.muli %add3A_23, %mul3A_24 : i32
    "tpu.region"() ({
      %run_scoped3A = tpu.sem_alloc : memref<!tpu.dma_semaphore, #tpu.memory_space<semaphore_mem>>
      %dma_start3A_55 = tpu.memref_slice %arg3[%mul3A_25] : memref<327680xi32, #tpu.memory_space<hbm>> -> memref<128xi32, #tpu.memory_space<hbm>>
      %dma_start3A_56 = tpu.memref_slice %arg3[%mul3A_25] : memref<327680xi32, #tpu.memory_space<hbm>> -> memref<128xi32, #tpu.memory_space<hbm>>
      tpu.enqueue_dma source(%dma_start3A_56 : memref<128xi32, #tpu.memory_space<hbm>>) target(%arg10 : memref<128xi32, #tpu.memory_space<vmem>>) target_semaphore(%run_scoped3A : memref<!tpu.dma_semaphore, #tpu.memory_space<semaphore_mem>>)
      %dma_wait3A_57 = tpu.memref_slice %arg3[%mul3A_25] : memref<327680xi32, #tpu.memory_space<hbm>> -> memref<128xi32, #tpu.memory_space<hbm>>
      %dma_wait3A_58 = tpu.memref_slice %arg3[%mul3A_25] : memref<327680xi32, #tpu.memory_space<hbm>> -> memref<128xi32, #tpu.memory_space<hbm>>
      tpu.wait_dma2 semaphore(%run_scoped3A : memref<!tpu.dma_semaphore, #tpu.memory_space<semaphore_mem>>) src(%dma_wait3A_58 : memref<128xi32, #tpu.memory_space<hbm>>) dst(%arg10 : memref<128xi32, #tpu.memory_space<vmem>>)
      tpu.yield
    }) : () -> ()
    %add3A_26 = arith.constant 1 : i32
    %add3A_27 = arith.addi %mul3A_2, %add3A_26 : i32
    %mul3A_28 = arith.constant 128 : i32
    %mul3A_29 = arith.muli %add3A_27, %mul3A_28 : i32
    "tpu.region"() ({
      %run_scoped3A = tpu.sem_alloc : memref<!tpu.dma_semaphore, #tpu.memory_space<semaphore_mem>>
      %dma_start3A_55 = tpu.memref_slice %arg4[%mul3A_29] : memref<327680xi32, #tpu.memory_space<hbm>> -> memref<128xi32, #tpu.memory_space<hbm>>
      %dma_start3A_56 = tpu.memref_slice %arg4[%mul3A_29] : memref<327680xi32, #tpu.memory_space<hbm>> -> memref<128xi32, #tpu.memory_space<hbm>>
      tpu.enqueue_dma source(%dma_start3A_56 : memref<128xi32, #tpu.memory_space<hbm>>) target(%arg12 : memref<128xi32, #tpu.memory_space<vmem>>) target_semaphore(%run_scoped3A : memref<!tpu.dma_semaphore, #tpu.memory_space<semaphore_mem>>)
      %dma_wait3A_57 = tpu.memref_slice %arg4[%mul3A_29] : memref<327680xi32, #tpu.memory_space<hbm>> -> memref<128xi32, #tpu.memory_space<hbm>>
      %dma_wait3A_58 = tpu.memref_slice %arg4[%mul3A_29] : memref<327680xi32, #tpu.memory_space<hbm>> -> memref<128xi32, #tpu.memory_space<hbm>>
      tpu.wait_dma2 semaphore(%run_scoped3A : memref<!tpu.dma_semaphore, #tpu.memory_space<semaphore_mem>>) src(%dma_wait3A_58 : memref<128xi32, #tpu.memory_space<hbm>>) dst(%arg12 : memref<128xi32, #tpu.memory_space<vmem>>)
      tpu.yield
    }) : () -> ()
    %dma_start3A_30 = arith.constant 0 : i32
    %dma_start3A_31 = arith.constant 0 : i32
    %dma_start3A_32 = tpu.memref_slice %arg2[%dma_start3A_30, %dma_start3A_31] : memref<10000x128xf32, #tpu.memory_space<hbm>> -> memref<10000x128xf32, #tpu.memory_space<hbm>>
    tpu.enqueue_indirect_dma source(%dma_start3A_32 : memref<10000x128xf32, #tpu.memory_space<hbm>>) target(%arg14 : memref<128x128xf32, #tpu.memory_space<vmem>>) offsets(%arg10 : memref<128xi32, #tpu.memory_space<vmem>>) semaphore(%arg19 : memref<!tpu.dma_semaphore, #tpu.memory_space<semaphore_mem>>)
    %scan3A = arith.constant 0 : i32
    %scan3A_33 = arith.constant 0 : i32
    %scan3A_34 = arith.constant 39 : i32
    %scan3A_35 = arith.addi %scan3A_33, %scan3A_34 : i32
    %scan3A_36 = arith.constant 1 : i32
    scf.for %scan3A_55 = %scan3A_33 to %scan3A_35 step %scan3A_36  : i32 {
      %mul3A_56 = arith.constant 2 : i32
      %mul3A_57 = arith.muli %mul3A_56, %scan3A_55 : i32
      %add3A_58 = arith.constant 1 : i32
      %add3A_59 = arith.addi %mul3A_57, %add3A_58 : i32
      %dma_wait3A_60 = arith.constant 0 : i32
      %dma_wait3A_61 = arith.constant 0 : i32
      %dma_wait3A_62 = tpu.memref_slice %arg2[%dma_wait3A_60, %dma_wait3A_61] : memref<10000x128xf32, #tpu.memory_space<hbm>> -> memref<10000x128xf32, #tpu.memory_space<hbm>>
      tpu.wait_indirect_dma semaphore(%arg19 : memref<!tpu.dma_semaphore, #tpu.memory_space<semaphore_mem>>) src(%dma_wait3A_62 : memref<10000x128xf32, #tpu.memory_space<hbm>>) dst(%arg14 : memref<128x128xf32, #tpu.memory_space<vmem>>)
      %dma_start3A_63 = arith.constant 0 : i32
      %dma_start3A_64 = arith.constant 0 : i32
      %dma_start3A_65 = tpu.memref_slice %arg16[%dma_start3A_63, %dma_start3A_64] : memref<10240x128xf32, #tpu.memory_space<vmem_shared>> -> memref<10240x128xf32, #tpu.memory_space<vmem_shared>>
      tpu.enqueue_indirect_dma source(%arg14 : memref<128x128xf32, #tpu.memory_space<vmem>>) target(%dma_start3A_65 : memref<10240x128xf32, #tpu.memory_space<vmem_shared>>) offsets(%arg12 : memref<128xi32, #tpu.memory_space<vmem>>) semaphore(%arg21 : memref<!tpu.dma_semaphore, #tpu.memory_space<semaphore_mem>>) {add = true}
      %dma_wait3A_66 = arith.constant 0 : i32
      %dma_wait3A_67 = arith.constant 0 : i32
      %dma_wait3A_68 = tpu.memref_slice %arg16[%dma_wait3A_66, %dma_wait3A_67] : memref<10240x128xf32, #tpu.memory_space<vmem_shared>> -> memref<10240x128xf32, #tpu.memory_space<vmem_shared>>
      tpu.wait_indirect_dma semaphore(%arg20 : memref<!tpu.dma_semaphore, #tpu.memory_space<semaphore_mem>>) src(%arg13 : memref<128x128xf32, #tpu.memory_space<vmem>>) dst(%dma_wait3A_68 : memref<10240x128xf32, #tpu.memory_space<vmem_shared>>)
      %add3A_69 = arith.constant 1 : i32
      %add3A_70 = arith.addi %add3A_59, %add3A_69 : i32
      %add3A_71 = arith.addi %mul3A_2, %add3A_70 : i32
      %mul3A_72 = arith.constant 128 : i32
      %mul3A_73 = arith.muli %add3A_71, %mul3A_72 : i32
      "tpu.region"() ({
        %run_scoped3A = tpu.sem_alloc : memref<!tpu.dma_semaphore, #tpu.memory_space<semaphore_mem>>
        %dma_start3A_100 = tpu.memref_slice %arg3[%mul3A_73] : memref<327680xi32, #tpu.memory_space<hbm>> -> memref<128xi32, #tpu.memory_space<hbm>>
        %dma_start3A_101 = tpu.memref_slice %arg3[%mul3A_73] : memref<327680xi32, #tpu.memory_space<hbm>> -> memref<128xi32, #tpu.memory_space<hbm>>
        tpu.enqueue_dma source(%dma_start3A_101 : memref<128xi32, #tpu.memory_space<hbm>>) target(%arg9 : memref<128xi32, #tpu.memory_space<vmem>>) target_semaphore(%run_scoped3A : memref<!tpu.dma_semaphore, #tpu.memory_space<semaphore_mem>>)
        %dma_wait3A_102 = tpu.memref_slice %arg3[%mul3A_73] : memref<327680xi32, #tpu.memory_space<hbm>> -> memref<128xi32, #tpu.memory_space<hbm>>
        %dma_wait3A_103 = tpu.memref_slice %arg3[%mul3A_73] : memref<327680xi32, #tpu.memory_space<hbm>> -> memref<128xi32, #tpu.memory_space<hbm>>
        tpu.wait_dma2 semaphore(%run_scoped3A : memref<!tpu.dma_semaphore, #tpu.memory_space<semaphore_mem>>) src(%dma_wait3A_103 : memref<128xi32, #tpu.memory_space<hbm>>) dst(%arg9 : memref<128xi32, #tpu.memory_space<vmem>>)
        tpu.yield
      }) : () -> ()
      %add3A_74 = arith.addi %mul3A_2, %add3A_70 : i32
      %mul3A_75 = arith.constant 128 : i32
      %mul3A_76 = arith.muli %add3A_74, %mul3A_75 : i32
      "tpu.region"() ({
        %run_scoped3A = tpu.sem_alloc : memref<!tpu.dma_semaphore, #tpu.memory_space<semaphore_mem>>
        %dma_start3A_100 = tpu.memref_slice %arg4[%mul3A_76] : memref<327680xi32, #tpu.memory_space<hbm>> -> memref<128xi32, #tpu.memory_space<hbm>>
        %dma_start3A_101 = tpu.memref_slice %arg4[%mul3A_76] : memref<327680xi32, #tpu.memory_space<hbm>> -> memref<128xi32, #tpu.memory_space<hbm>>
        tpu.enqueue_dma source(%dma_start3A_101 : memref<128xi32, #tpu.memory_space<hbm>>) target(%arg11 : memref<128xi32, #tpu.memory_space<vmem>>) target_semaphore(%run_scoped3A : memref<!tpu.dma_semaphore, #tpu.memory_space<semaphore_mem>>)
        %dma_wait3A_102 = tpu.memref_slice %arg4[%mul3A_76] : memref<327680xi32, #tpu.memory_space<hbm>> -> memref<128xi32, #tpu.memory_space<hbm>>
        %dma_wait3A_103 = tpu.memref_slice %arg4[%mul3A_76] : memref<327680xi32, #tpu.memory_space<hbm>> -> memref<128xi32, #tpu.memory_space<hbm>>
        tpu.wait_dma2 semaphore(%run_scoped3A : memref<!tpu.dma_semaphore, #tpu.memory_space<semaphore_mem>>) src(%dma_wait3A_103 : memref<128xi32, #tpu.memory_space<hbm>>) dst(%arg11 : memref<128xi32, #tpu.memory_space<vmem>>)
        tpu.yield
      }) : () -> ()
      %dma_start3A_77 = arith.constant 0 : i32
      %dma_start3A_78 = arith.constant 0 : i32
      %dma_start3A_79 = tpu.memref_slice %arg2[%dma_start3A_77, %dma_start3A_78] : memref<10000x128xf32, #tpu.memory_space<hbm>> -> memref<10000x128xf32, #tpu.memory_space<hbm>>
      tpu.enqueue_indirect_dma source(%dma_start3A_79 : memref<10000x128xf32, #tpu.memory_space<hbm>>) target(%arg13 : memref<128x128xf32, #tpu.memory_space<vmem>>) offsets(%arg9 : memref<128xi32, #tpu.memory_space<vmem>>) semaphore(%arg18 : memref<!tpu.dma_semaphore, #tpu.memory_space<semaphore_mem>>)
      %dma_wait3A_80 = arith.constant 0 : i32
      %dma_wait3A_81 = arith.constant 0 : i32
      %dma_wait3A_82 = tpu.memref_slice %arg2[%dma_wait3A_80, %dma_wait3A_81] : memref<10000x128xf32, #tpu.memory_space<hbm>> -> memref<10000x128xf32, #tpu.memory_space<hbm>>
      tpu.wait_indirect_dma semaphore(%arg18 : memref<!tpu.dma_semaphore, #tpu.memory_space<semaphore_mem>>) src(%dma_wait3A_82 : memref<10000x128xf32, #tpu.memory_space<hbm>>) dst(%arg13 : memref<128x128xf32, #tpu.memory_space<vmem>>)
      %dma_start3A_83 = arith.constant 0 : i32
      %dma_start3A_84 = arith.constant 0 : i32
      %dma_start3A_85 = tpu.memref_slice %arg16[%dma_start3A_83, %dma_start3A_84] : memref<10240x128xf32, #tpu.memory_space<vmem_shared>> -> memref<10240x128xf32, #tpu.memory_space<vmem_shared>>
      tpu.enqueue_indirect_dma source(%arg13 : memref<128x128xf32, #tpu.memory_space<vmem>>) target(%dma_start3A_85 : memref<10240x128xf32, #tpu.memory_space<vmem_shared>>) offsets(%arg11 : memref<128xi32, #tpu.memory_space<vmem>>) semaphore(%arg20 : memref<!tpu.dma_semaphore, #tpu.memory_space<semaphore_mem>>) {add = true}
      %dma_wait3A_86 = arith.constant 0 : i32
      %dma_wait3A_87 = arith.constant 0 : i32
      %dma_wait3A_88 = tpu.memref_slice %arg16[%dma_wait3A_86, %dma_wait3A_87] : memref<10240x128xf32, #tpu.memory_space<vmem_shared>> -> memref<10240x128xf32, #tpu.memory_space<vmem_shared>>
      tpu.wait_indirect_dma semaphore(%arg21 : memref<!tpu.dma_semaphore, #tpu.memory_space<semaphore_mem>>) src(%arg14 : memref<128x128xf32, #tpu.memory_space<vmem>>) dst(%dma_wait3A_88 : memref<10240x128xf32, #tpu.memory_space<vmem_shared>>)
      %add3A_89 = arith.constant 2 : i32
      %add3A_90 = arith.addi %add3A_59, %add3A_89 : i32
      %add3A_91 = arith.addi %mul3A_2, %add3A_90 : i32
      %mul3A_92 = arith.constant 128 : i32
      %mul3A_93 = arith.muli %add3A_91, %mul3A_92 : i32
      "tpu.region"() ({
        %run_scoped3A = tpu.sem_alloc : memref<!tpu.dma_semaphore, #tpu.memory_space<semaphore_mem>>
        %dma_start3A_100 = tpu.memref_slice %arg3[%mul3A_93] : memref<327680xi32, #tpu.memory_space<hbm>> -> memref<128xi32, #tpu.memory_space<hbm>>
        %dma_start3A_101 = tpu.memref_slice %arg3[%mul3A_93] : memref<327680xi32, #tpu.memory_space<hbm>> -> memref<128xi32, #tpu.memory_space<hbm>>
        tpu.enqueue_dma source(%dma_start3A_101 : memref<128xi32, #tpu.memory_space<hbm>>) target(%arg10 : memref<128xi32, #tpu.memory_space<vmem>>) target_semaphore(%run_scoped3A : memref<!tpu.dma_semaphore, #tpu.memory_space<semaphore_mem>>)
        %dma_wait3A_102 = tpu.memref_slice %arg3[%mul3A_93] : memref<327680xi32, #tpu.memory_space<hbm>> -> memref<128xi32, #tpu.memory_space<hbm>>
        %dma_wait3A_103 = tpu.memref_slice %arg3[%mul3A_93] : memref<327680xi32, #tpu.memory_space<hbm>> -> memref<128xi32, #tpu.memory_space<hbm>>
        tpu.wait_dma2 semaphore(%run_scoped3A : memref<!tpu.dma_semaphore, #tpu.memory_space<semaphore_mem>>) src(%dma_wait3A_103 : memref<128xi32, #tpu.memory_space<hbm>>) dst(%arg10 : memref<128xi32, #tpu.memory_space<vmem>>)
        tpu.yield
      }) : () -> ()
      %add3A_94 = arith.addi %mul3A_2, %add3A_90 : i32
      %mul3A_95 = arith.constant 128 : i32
      %mul3A_96 = arith.muli %add3A_94, %mul3A_95 : i32
      "tpu.region"() ({
        %run_scoped3A = tpu.sem_alloc : memref<!tpu.dma_semaphore, #tpu.memory_space<semaphore_mem>>
        %dma_start3A_100 = tpu.memref_slice %arg4[%mul3A_96] : memref<327680xi32, #tpu.memory_space<hbm>> -> memref<128xi32, #tpu.memory_space<hbm>>
        %dma_start3A_101 = tpu.memref_slice %arg4[%mul3A_96] : memref<327680xi32, #tpu.memory_space<hbm>> -> memref<128xi32, #tpu.memory_space<hbm>>
        tpu.enqueue_dma source(%dma_start3A_101 : memref<128xi32, #tpu.memory_space<hbm>>) target(%arg12 : memref<128xi32, #tpu.memory_space<vmem>>) target_semaphore(%run_scoped3A : memref<!tpu.dma_semaphore, #tpu.memory_space<semaphore_mem>>)
        %dma_wait3A_102 = tpu.memref_slice %arg4[%mul3A_96] : memref<327680xi32, #tpu.memory_space<hbm>> -> memref<128xi32, #tpu.memory_space<hbm>>
        %dma_wait3A_103 = tpu.memref_slice %arg4[%mul3A_96] : memref<327680xi32, #tpu.memory_space<hbm>> -> memref<128xi32, #tpu.memory_space<hbm>>
        tpu.wait_dma2 semaphore(%run_scoped3A : memref<!tpu.dma_semaphore, #tpu.memory_space<semaphore_mem>>) src(%dma_wait3A_103 : memref<128xi32, #tpu.memory_space<hbm>>) dst(%arg12 : memref<128xi32, #tpu.memory_space<vmem>>)
        tpu.yield
      }) : () -> ()
      %dma_start3A_97 = arith.constant 0 : i32
      %dma_start3A_98 = arith.constant 0 : i32
      %dma_start3A_99 = tpu.memref_slice %arg2[%dma_start3A_97, %dma_start3A_98] : memref<10000x128xf32, #tpu.memory_space<hbm>> -> memref<10000x128xf32, #tpu.memory_space<hbm>>
      tpu.enqueue_indirect_dma source(%dma_start3A_99 : memref<10000x128xf32, #tpu.memory_space<hbm>>) target(%arg14 : memref<128x128xf32, #tpu.memory_space<vmem>>) offsets(%arg10 : memref<128xi32, #tpu.memory_space<vmem>>) semaphore(%arg19 : memref<!tpu.dma_semaphore, #tpu.memory_space<semaphore_mem>>)
    }
    %scan3A_37 = arith.constant 39 : i32
    %dma_wait3A_38 = arith.constant 0 : i32
    %dma_wait3A_39 = arith.constant 0 : i32
    %dma_wait3A_40 = tpu.memref_slice %arg2[%dma_wait3A_38, %dma_wait3A_39] : memref<10000x128xf32, #tpu.memory_space<hbm>> -> memref<10000x128xf32, #tpu.memory_space<hbm>>
    tpu.wait_indirect_dma semaphore(%arg19 : memref<!tpu.dma_semaphore, #tpu.memory_space<semaphore_mem>>) src(%dma_wait3A_40 : memref<10000x128xf32, #tpu.memory_space<hbm>>) dst(%arg14 : memref<128x128xf32, #tpu.memory_space<vmem>>)
    %dma_start3A_41 = arith.constant 0 : i32
    %dma_start3A_42 = arith.constant 0 : i32
    %dma_start3A_43 = tpu.memref_slice %arg16[%dma_start3A_41, %dma_start3A_42] : memref<10240x128xf32, #tpu.memory_space<vmem_shared>> -> memref<10240x128xf32, #tpu.memory_space<vmem_shared>>
    tpu.enqueue_indirect_dma source(%arg14 : memref<128x128xf32, #tpu.memory_space<vmem>>) target(%dma_start3A_43 : memref<10240x128xf32, #tpu.memory_space<vmem_shared>>) offsets(%arg12 : memref<128xi32, #tpu.memory_space<vmem>>) semaphore(%arg21 : memref<!tpu.dma_semaphore, #tpu.memory_space<semaphore_mem>>) {add = true}
    %dma_wait3A_44 = arith.constant 0 : i32
    %dma_wait3A_45 = arith.constant 0 : i32
    %dma_wait3A_46 = tpu.memref_slice %arg16[%dma_wait3A_44, %dma_wait3A_45] : memref<10240x128xf32, #tpu.memory_space<vmem_shared>> -> memref<10240x128xf32, #tpu.memory_space<vmem_shared>>
    tpu.wait_indirect_dma semaphore(%arg20 : memref<!tpu.dma_semaphore, #tpu.memory_space<semaphore_mem>>) src(%arg13 : memref<128x128xf32, #tpu.memory_space<vmem>>) dst(%dma_wait3A_46 : memref<10240x128xf32, #tpu.memory_space<vmem_shared>>)
    %dma_wait3A_47 = arith.constant 0 : i32
    %dma_wait3A_48 = arith.constant 0 : i32
    %dma_wait3A_49 = tpu.memref_slice %arg16[%dma_wait3A_47, %dma_wait3A_48] : memref<10240x128xf32, #tpu.memory_space<vmem_shared>> -> memref<10240x128xf32, #tpu.memory_space<vmem_shared>>
    tpu.wait_indirect_dma semaphore(%arg21 : memref<!tpu.dma_semaphore, #tpu.memory_space<semaphore_mem>>) src(%arg14 : memref<128x128xf32, #tpu.memory_space<vmem>>) dst(%dma_wait3A_49 : memref<10240x128xf32, #tpu.memory_space<vmem_shared>>)
    %barrier3A_50 = arith.constant 0 : index
    tpu.barrier barrier_id(%barrier3A_50)
    %mul3A_51 = arith.constant 640 : i32
    %mul3A_52 = arith.muli %arg1, %mul3A_51 : i32
    %mul3A_53 = arith.constant 640 : i32
    %mul3A_54 = arith.muli %arg1, %mul3A_53 : i32
    "tpu.region"() ({
      %run_scoped3A = tpu.sem_alloc : memref<!tpu.dma_semaphore, #tpu.memory_space<semaphore_mem>>
      %dma_start3A_55 = arith.constant 0 : i32
      %dma_start3A_56 = tpu.memref_slice %arg8[%arg0, %mul3A_54, %dma_start3A_55] : memref<2x10240x128xf32, #tpu.memory_space<hbm>> -> memref<1x640x128xf32, #tpu.memory_space<hbm>>
      %dma_start3A_57 = tpu.memref_squeeze %dma_start3A_56 : memref<1x640x128xf32, #tpu.memory_space<hbm>> -> memref<640x128xf32, #tpu.memory_space<hbm>>
      %dma_start3A_58 = arith.constant 0 : i32
      %dma_start3A_59 = tpu.memref_slice %arg16[%mul3A_52, %dma_start3A_58] : memref<10240x128xf32, #tpu.memory_space<vmem_shared>> -> memref<640x128xf32, #tpu.memory_space<vmem_shared>>
      tpu.enqueue_dma source(%dma_start3A_59 : memref<640x128xf32, #tpu.memory_space<vmem_shared>>) target(%dma_start3A_57 : memref<640x128xf32, #tpu.memory_space<hbm>>) target_semaphore(%run_scoped3A : memref<!tpu.dma_semaphore, #tpu.memory_space<semaphore_mem>>)
      %dma_wait3A_60 = arith.constant 0 : i32
      %dma_wait3A_61 = tpu.memref_slice %arg8[%arg0, %mul3A_54, %dma_wait3A_60] : memref<2x10240x128xf32, #tpu.memory_space<hbm>> -> memref<1x640x128xf32, #tpu.memory_space<hbm>>
      %dma_wait3A_62 = tpu.memref_squeeze %dma_wait3A_61 : memref<1x640x128xf32, #tpu.memory_space<hbm>> -> memref<640x128xf32, #tpu.memory_space<hbm>>
      %dma_wait3A_63 = arith.constant 0 : i32
      %dma_wait3A_64 = tpu.memref_slice %arg16[%mul3A_52, %dma_wait3A_63] : memref<10240x128xf32, #tpu.memory_space<vmem_shared>> -> memref<640x128xf32, #tpu.memory_space<vmem_shared>>
      tpu.wait_dma2 semaphore(%run_scoped3A : memref<!tpu.dma_semaphore, #tpu.memory_space<semaphore_mem>>) src(%dma_wait3A_64 : memref<640x128xf32, #tpu.memory_space<vmem_shared>>) dst(%dma_wait3A_62 : memref<640x128xf32, #tpu.memory_space<hbm>>)
      tpu.yield
    }) : () -> ()
    return
  }
}

#map = affine_map<(d0, d1) -> (0, 0)>
#map1 = affine_map<(d0, d1) -> (0)>
#map2 = affine_map<(d0, d1) -> (0, 0, 0)>
module attributes {stable_mosaic.version = 14 : i64} {
  func.func @body(%arg0: i32, %arg1: i32, %arg2: memref<10000x128xf32, #tpu.memory_space<hbm>>, %arg3: memref<327680xi32, #tpu.memory_space<hbm>>, %arg4: memref<327680xi32, #tpu.memory_space<hbm>>, %arg5: memref<10240x128xf32, #tpu.memory_space<hbm>>, %arg6: memref<10240xf32, #tpu.memory_space<hbm>>, %arg7: memref<128xf32, #tpu.memory_space<hbm>>, %arg8: memref<2x10240x128xf32, #tpu.memory_space<hbm>>, %arg9: memref<2x10240xf32, #tpu.memory_space<hbm>>, %arg10: memref<128xi32, #tpu.memory_space<vmem>>, %arg11: memref<128xi32, #tpu.memory_space<vmem>>, %arg12: memref<128xi32, #tpu.memory_space<vmem>>, %arg13: memref<128xi32, #tpu.memory_space<vmem>>, %arg14: memref<128x128xf32, #tpu.memory_space<vmem>>, %arg15: memref<128x128xf32, #tpu.memory_space<vmem>>, %arg16: memref<128xf32, #tpu.memory_space<vmem>>, %arg17: memref<10240x128xf32, #tpu.memory_space<vmem_shared>>, %arg18: memref<10240xf32, #tpu.memory_space<vmem_shared>>, %arg19: memref<!tpu.dma_semaphore, #tpu.memory_space<semaphore_mem>>, %arg20: memref<!tpu.dma_semaphore, #tpu.memory_space<semaphore_mem>>, %arg21: memref<!tpu.dma_semaphore, #tpu.memory_space<semaphore_mem>>, %arg22: memref<!tpu.dma_semaphore, #tpu.memory_space<semaphore_mem>>, %arg23: memref<!tpu.dma_semaphore, #tpu.memory_space<semaphore_mem>>) attributes {dimension_semantics = [#tpu.dimension_semantics<core_parallel>, #tpu.dimension_semantics<subcore_parallel>], iteration_bounds = array<i64: 2, 16>, scalar_prefetch = 0 : i64, scratch_operands = 14 : i64, tpu.core_type = #tpu.core_type<sc_vector_subcore>, window_params = [{transform_indices = #map}, {transform_indices = #map1}, {transform_indices = #map1}, {transform_indices = #map}, {transform_indices = #map1}, {transform_indices = #map1}, {transform_indices = #map2}, {transform_indices = #map}]} {
    %mul3A = arith.constant 2 : i32
    %mul3A_0 = arith.muli %arg1, %mul3A : i32
    %add3A = arith.addi %mul3A_0, %arg0 : i32
    %mul3A_1 = arith.constant 80 : i32
    %mul3A_2 = arith.muli %add3A, %mul3A_1 : i32
    %mul3A_3 = arith.constant 640 : i32
    %mul3A_4 = arith.muli %arg1, %mul3A_3 : i32
    %mul3A_5 = arith.constant 640 : i32
    %mul3A_6 = arith.muli %arg1, %mul3A_5 : i32
    "tpu.region"() ({
      %run_scoped3A = tpu.sem_alloc : memref<!tpu.dma_semaphore, #tpu.memory_space<semaphore_mem>>
      %dma_start3A_71 = arith.constant 0 : i32
      %dma_start3A_72 = tpu.memref_slice %arg17[%mul3A_6, %dma_start3A_71] : memref<10240x128xf32, #tpu.memory_space<vmem_shared>> -> memref<640x128xf32, #tpu.memory_space<vmem_shared>>
      %dma_start3A_73 = arith.constant 0 : i32
      %dma_start3A_74 = tpu.memref_slice %arg5[%mul3A_4, %dma_start3A_73] : memref<10240x128xf32, #tpu.memory_space<hbm>> -> memref<640x128xf32, #tpu.memory_space<hbm>>
      tpu.enqueue_dma source(%dma_start3A_74 : memref<640x128xf32, #tpu.memory_space<hbm>>) target(%dma_start3A_72 : memref<640x128xf32, #tpu.memory_space<vmem_shared>>) target_semaphore(%run_scoped3A : memref<!tpu.dma_semaphore, #tpu.memory_space<semaphore_mem>>)
      %dma_wait3A_75 = arith.constant 0 : i32
      %dma_wait3A_76 = tpu.memref_slice %arg17[%mul3A_6, %dma_wait3A_75] : memref<10240x128xf32, #tpu.memory_space<vmem_shared>> -> memref<640x128xf32, #tpu.memory_space<vmem_shared>>
      %dma_wait3A_77 = arith.constant 0 : i32
      %dma_wait3A_78 = tpu.memref_slice %arg5[%mul3A_4, %dma_wait3A_77] : memref<10240x128xf32, #tpu.memory_space<hbm>> -> memref<640x128xf32, #tpu.memory_space<hbm>>
      tpu.wait_dma2 semaphore(%run_scoped3A : memref<!tpu.dma_semaphore, #tpu.memory_space<semaphore_mem>>) src(%dma_wait3A_78 : memref<640x128xf32, #tpu.memory_space<hbm>>) dst(%dma_wait3A_76 : memref<640x128xf32, #tpu.memory_space<vmem_shared>>)
      tpu.yield
    }) : () -> ()
    %mul3A_7 = arith.constant 640 : i32
    %mul3A_8 = arith.muli %arg1, %mul3A_7 : i32
    %mul3A_9 = arith.constant 640 : i32
    %mul3A_10 = arith.muli %arg1, %mul3A_9 : i32
    "tpu.region"() ({
      %run_scoped3A = tpu.sem_alloc : memref<!tpu.dma_semaphore, #tpu.memory_space<semaphore_mem>>
      %dma_start3A_71 = tpu.memref_slice %arg18[%mul3A_10] : memref<10240xf32, #tpu.memory_space<vmem_shared>> -> memref<640xf32, #tpu.memory_space<vmem_shared>>
      %dma_start3A_72 = tpu.memref_slice %arg6[%mul3A_8] : memref<10240xf32, #tpu.memory_space<hbm>> -> memref<640xf32, #tpu.memory_space<hbm>>
      tpu.enqueue_dma source(%dma_start3A_72 : memref<640xf32, #tpu.memory_space<hbm>>) target(%dma_start3A_71 : memref<640xf32, #tpu.memory_space<vmem_shared>>) target_semaphore(%run_scoped3A : memref<!tpu.dma_semaphore, #tpu.memory_space<semaphore_mem>>)
      %dma_wait3A_73 = tpu.memref_slice %arg18[%mul3A_10] : memref<10240xf32, #tpu.memory_space<vmem_shared>> -> memref<640xf32, #tpu.memory_space<vmem_shared>>
      %dma_wait3A_74 = tpu.memref_slice %arg6[%mul3A_8] : memref<10240xf32, #tpu.memory_space<hbm>> -> memref<640xf32, #tpu.memory_space<hbm>>
      tpu.wait_dma2 semaphore(%run_scoped3A : memref<!tpu.dma_semaphore, #tpu.memory_space<semaphore_mem>>) src(%dma_wait3A_74 : memref<640xf32, #tpu.memory_space<hbm>>) dst(%dma_wait3A_73 : memref<640xf32, #tpu.memory_space<vmem_shared>>)
      tpu.yield
    }) : () -> ()
    "tpu.region"() ({
      %run_scoped3A = tpu.sem_alloc : memref<!tpu.dma_semaphore, #tpu.memory_space<semaphore_mem>>
      tpu.enqueue_dma source(%arg7 : memref<128xf32, #tpu.memory_space<hbm>>) target(%arg16 : memref<128xf32, #tpu.memory_space<vmem>>) target_semaphore(%run_scoped3A : memref<!tpu.dma_semaphore, #tpu.memory_space<semaphore_mem>>)
      tpu.wait_dma2 semaphore(%run_scoped3A : memref<!tpu.dma_semaphore, #tpu.memory_space<semaphore_mem>>) src(%arg7 : memref<128xf32, #tpu.memory_space<hbm>>) dst(%arg16 : memref<128xf32, #tpu.memory_space<vmem>>)
      tpu.yield
    }) : () -> ()
    %barrier3A = arith.constant 0 : index
    tpu.barrier barrier_id(%barrier3A)
    %add3A_11 = arith.constant 0 : i32
    %add3A_12 = arith.addi %mul3A_2, %add3A_11 : i32
    %mul3A_13 = arith.constant 128 : i32
    %mul3A_14 = arith.muli %add3A_12, %mul3A_13 : i32
    "tpu.region"() ({
      %run_scoped3A = tpu.sem_alloc : memref<!tpu.dma_semaphore, #tpu.memory_space<semaphore_mem>>
      %dma_start3A_71 = tpu.memref_slice %arg3[%mul3A_14] : memref<327680xi32, #tpu.memory_space<hbm>> -> memref<128xi32, #tpu.memory_space<hbm>>
      %dma_start3A_72 = tpu.memref_slice %arg3[%mul3A_14] : memref<327680xi32, #tpu.memory_space<hbm>> -> memref<128xi32, #tpu.memory_space<hbm>>
      tpu.enqueue_dma source(%dma_start3A_72 : memref<128xi32, #tpu.memory_space<hbm>>) target(%arg10 : memref<128xi32, #tpu.memory_space<vmem>>) target_semaphore(%run_scoped3A : memref<!tpu.dma_semaphore, #tpu.memory_space<semaphore_mem>>)
      %dma_wait3A_73 = tpu.memref_slice %arg3[%mul3A_14] : memref<327680xi32, #tpu.memory_space<hbm>> -> memref<128xi32, #tpu.memory_space<hbm>>
      %dma_wait3A_74 = tpu.memref_slice %arg3[%mul3A_14] : memref<327680xi32, #tpu.memory_space<hbm>> -> memref<128xi32, #tpu.memory_space<hbm>>
      tpu.wait_dma2 semaphore(%run_scoped3A : memref<!tpu.dma_semaphore, #tpu.memory_space<semaphore_mem>>) src(%dma_wait3A_74 : memref<128xi32, #tpu.memory_space<hbm>>) dst(%arg10 : memref<128xi32, #tpu.memory_space<vmem>>)
      tpu.yield
    }) : () -> ()
    %add3A_15 = arith.constant 0 : i32
    %add3A_16 = arith.addi %mul3A_2, %add3A_15 : i32
    %mul3A_17 = arith.constant 128 : i32
    %mul3A_18 = arith.muli %add3A_16, %mul3A_17 : i32
    "tpu.region"() ({
      %run_scoped3A = tpu.sem_alloc : memref<!tpu.dma_semaphore, #tpu.memory_space<semaphore_mem>>
      %dma_start3A_71 = tpu.memref_slice %arg4[%mul3A_18] : memref<327680xi32, #tpu.memory_space<hbm>> -> memref<128xi32, #tpu.memory_space<hbm>>
      %dma_start3A_72 = tpu.memref_slice %arg4[%mul3A_18] : memref<327680xi32, #tpu.memory_space<hbm>> -> memref<128xi32, #tpu.memory_space<hbm>>
      tpu.enqueue_dma source(%dma_start3A_72 : memref<128xi32, #tpu.memory_space<hbm>>) target(%arg12 : memref<128xi32, #tpu.memory_space<vmem>>) target_semaphore(%run_scoped3A : memref<!tpu.dma_semaphore, #tpu.memory_space<semaphore_mem>>)
      %dma_wait3A_73 = tpu.memref_slice %arg4[%mul3A_18] : memref<327680xi32, #tpu.memory_space<hbm>> -> memref<128xi32, #tpu.memory_space<hbm>>
      %dma_wait3A_74 = tpu.memref_slice %arg4[%mul3A_18] : memref<327680xi32, #tpu.memory_space<hbm>> -> memref<128xi32, #tpu.memory_space<hbm>>
      tpu.wait_dma2 semaphore(%run_scoped3A : memref<!tpu.dma_semaphore, #tpu.memory_space<semaphore_mem>>) src(%dma_wait3A_74 : memref<128xi32, #tpu.memory_space<hbm>>) dst(%arg12 : memref<128xi32, #tpu.memory_space<vmem>>)
      tpu.yield
    }) : () -> ()
    %dma_start3A = arith.constant 0 : i32
    %dma_start3A_19 = arith.constant 0 : i32
    %dma_start3A_20 = tpu.memref_slice %arg2[%dma_start3A, %dma_start3A_19] : memref<10000x128xf32, #tpu.memory_space<hbm>> -> memref<10000x128xf32, #tpu.memory_space<hbm>>
    tpu.enqueue_indirect_dma source(%dma_start3A_20 : memref<10000x128xf32, #tpu.memory_space<hbm>>) target(%arg14 : memref<128x128xf32, #tpu.memory_space<vmem>>) offsets(%arg10 : memref<128xi32, #tpu.memory_space<vmem>>) semaphore(%arg19 : memref<!tpu.dma_semaphore, #tpu.memory_space<semaphore_mem>>)
    %dma_wait3A = arith.constant 0 : i32
    %dma_wait3A_21 = arith.constant 0 : i32
    %dma_wait3A_22 = tpu.memref_slice %arg2[%dma_wait3A, %dma_wait3A_21] : memref<10000x128xf32, #tpu.memory_space<hbm>> -> memref<10000x128xf32, #tpu.memory_space<hbm>>
    tpu.wait_indirect_dma semaphore(%arg19 : memref<!tpu.dma_semaphore, #tpu.memory_space<semaphore_mem>>) src(%dma_wait3A_22 : memref<10000x128xf32, #tpu.memory_space<hbm>>) dst(%arg14 : memref<128x128xf32, #tpu.memory_space<vmem>>)
    %dma_start3A_23 = arith.constant 0 : i32
    %dma_start3A_24 = arith.constant 0 : i32
    %dma_start3A_25 = tpu.memref_slice %arg17[%dma_start3A_23, %dma_start3A_24] : memref<10240x128xf32, #tpu.memory_space<vmem_shared>> -> memref<10240x128xf32, #tpu.memory_space<vmem_shared>>
    tpu.enqueue_indirect_dma source(%arg14 : memref<128x128xf32, #tpu.memory_space<vmem>>) target(%dma_start3A_25 : memref<10240x128xf32, #tpu.memory_space<vmem_shared>>) offsets(%arg12 : memref<128xi32, #tpu.memory_space<vmem>>) semaphore(%arg21 : memref<!tpu.dma_semaphore, #tpu.memory_space<semaphore_mem>>) {add = true}
    %dma_start3A_26 = arith.constant 0 : i32
    %dma_start3A_27 = tpu.memref_slice %arg18[%dma_start3A_26] : memref<10240xf32, #tpu.memory_space<vmem_shared>> -> memref<10240xf32, #tpu.memory_space<vmem_shared>>
    tpu.enqueue_indirect_dma source(%arg16 : memref<128xf32, #tpu.memory_space<vmem>>) target(%dma_start3A_27 : memref<10240xf32, #tpu.memory_space<vmem_shared>>) offsets(%arg12 : memref<128xi32, #tpu.memory_space<vmem>>) semaphore(%arg23 : memref<!tpu.dma_semaphore, #tpu.memory_space<semaphore_mem>>) {add = true}
    %add3A_28 = arith.constant 1 : i32
    %add3A_29 = arith.addi %mul3A_2, %add3A_28 : i32
    %mul3A_30 = arith.constant 128 : i32
    %mul3A_31 = arith.muli %add3A_29, %mul3A_30 : i32
    "tpu.region"() ({
      %run_scoped3A = tpu.sem_alloc : memref<!tpu.dma_semaphore, #tpu.memory_space<semaphore_mem>>
      %dma_start3A_71 = tpu.memref_slice %arg3[%mul3A_31] : memref<327680xi32, #tpu.memory_space<hbm>> -> memref<128xi32, #tpu.memory_space<hbm>>
      %dma_start3A_72 = tpu.memref_slice %arg3[%mul3A_31] : memref<327680xi32, #tpu.memory_space<hbm>> -> memref<128xi32, #tpu.memory_space<hbm>>
      tpu.enqueue_dma source(%dma_start3A_72 : memref<128xi32, #tpu.memory_space<hbm>>) target(%arg11 : memref<128xi32, #tpu.memory_space<vmem>>) target_semaphore(%run_scoped3A : memref<!tpu.dma_semaphore, #tpu.memory_space<semaphore_mem>>)
      %dma_wait3A_73 = tpu.memref_slice %arg3[%mul3A_31] : memref<327680xi32, #tpu.memory_space<hbm>> -> memref<128xi32, #tpu.memory_space<hbm>>
      %dma_wait3A_74 = tpu.memref_slice %arg3[%mul3A_31] : memref<327680xi32, #tpu.memory_space<hbm>> -> memref<128xi32, #tpu.memory_space<hbm>>
      tpu.wait_dma2 semaphore(%run_scoped3A : memref<!tpu.dma_semaphore, #tpu.memory_space<semaphore_mem>>) src(%dma_wait3A_74 : memref<128xi32, #tpu.memory_space<hbm>>) dst(%arg11 : memref<128xi32, #tpu.memory_space<vmem>>)
      tpu.yield
    }) : () -> ()
    %add3A_32 = arith.constant 1 : i32
    %add3A_33 = arith.addi %mul3A_2, %add3A_32 : i32
    %mul3A_34 = arith.constant 128 : i32
    %mul3A_35 = arith.muli %add3A_33, %mul3A_34 : i32
    "tpu.region"() ({
      %run_scoped3A = tpu.sem_alloc : memref<!tpu.dma_semaphore, #tpu.memory_space<semaphore_mem>>
      %dma_start3A_71 = tpu.memref_slice %arg4[%mul3A_35] : memref<327680xi32, #tpu.memory_space<hbm>> -> memref<128xi32, #tpu.memory_space<hbm>>
      %dma_start3A_72 = tpu.memref_slice %arg4[%mul3A_35] : memref<327680xi32, #tpu.memory_space<hbm>> -> memref<128xi32, #tpu.memory_space<hbm>>
      tpu.enqueue_dma source(%dma_start3A_72 : memref<128xi32, #tpu.memory_space<hbm>>) target(%arg13 : memref<128xi32, #tpu.memory_space<vmem>>) target_semaphore(%run_scoped3A : memref<!tpu.dma_semaphore, #tpu.memory_space<semaphore_mem>>)
      %dma_wait3A_73 = tpu.memref_slice %arg4[%mul3A_35] : memref<327680xi32, #tpu.memory_space<hbm>> -> memref<128xi32, #tpu.memory_space<hbm>>
      %dma_wait3A_74 = tpu.memref_slice %arg4[%mul3A_35] : memref<327680xi32, #tpu.memory_space<hbm>> -> memref<128xi32, #tpu.memory_space<hbm>>
      tpu.wait_dma2 semaphore(%run_scoped3A : memref<!tpu.dma_semaphore, #tpu.memory_space<semaphore_mem>>) src(%dma_wait3A_74 : memref<128xi32, #tpu.memory_space<hbm>>) dst(%arg13 : memref<128xi32, #tpu.memory_space<vmem>>)
      tpu.yield
    }) : () -> ()
    %dma_start3A_36 = arith.constant 0 : i32
    %dma_start3A_37 = arith.constant 0 : i32
    %dma_start3A_38 = tpu.memref_slice %arg2[%dma_start3A_36, %dma_start3A_37] : memref<10000x128xf32, #tpu.memory_space<hbm>> -> memref<10000x128xf32, #tpu.memory_space<hbm>>
    tpu.enqueue_indirect_dma source(%dma_start3A_38 : memref<10000x128xf32, #tpu.memory_space<hbm>>) target(%arg15 : memref<128x128xf32, #tpu.memory_space<vmem>>) offsets(%arg11 : memref<128xi32, #tpu.memory_space<vmem>>) semaphore(%arg20 : memref<!tpu.dma_semaphore, #tpu.memory_space<semaphore_mem>>)
    %scan3A = arith.constant 0 : i32
    %scan3A_39 = arith.constant 0 : i32
    %scan3A_40 = arith.constant 39 : i32
    %scan3A_41 = arith.addi %scan3A_39, %scan3A_40 : i32
    %scan3A_42 = arith.constant 1 : i32
    scf.for %scan3A_71 = %scan3A_39 to %scan3A_41 step %scan3A_42  : i32 {
      %mul3A_72 = arith.constant 2 : i32
      %mul3A_73 = arith.muli %mul3A_72, %scan3A_71 : i32
      %add3A_74 = arith.constant 1 : i32
      %add3A_75 = arith.addi %mul3A_73, %add3A_74 : i32
      %dma_wait3A_76 = arith.constant 0 : i32
      %dma_wait3A_77 = arith.constant 0 : i32
      %dma_wait3A_78 = tpu.memref_slice %arg2[%dma_wait3A_76, %dma_wait3A_77] : memref<10000x128xf32, #tpu.memory_space<hbm>> -> memref<10000x128xf32, #tpu.memory_space<hbm>>
      tpu.wait_indirect_dma semaphore(%arg20 : memref<!tpu.dma_semaphore, #tpu.memory_space<semaphore_mem>>) src(%dma_wait3A_78 : memref<10000x128xf32, #tpu.memory_space<hbm>>) dst(%arg15 : memref<128x128xf32, #tpu.memory_space<vmem>>)
      %dma_start3A_79 = arith.constant 0 : i32
      %dma_start3A_80 = arith.constant 0 : i32
      %dma_start3A_81 = tpu.memref_slice %arg17[%dma_start3A_79, %dma_start3A_80] : memref<10240x128xf32, #tpu.memory_space<vmem_shared>> -> memref<10240x128xf32, #tpu.memory_space<vmem_shared>>
      tpu.enqueue_indirect_dma source(%arg15 : memref<128x128xf32, #tpu.memory_space<vmem>>) target(%dma_start3A_81 : memref<10240x128xf32, #tpu.memory_space<vmem_shared>>) offsets(%arg13 : memref<128xi32, #tpu.memory_space<vmem>>) semaphore(%arg22 : memref<!tpu.dma_semaphore, #tpu.memory_space<semaphore_mem>>) {add = true}
      %dma_start3A_82 = arith.constant 0 : i32
      %dma_start3A_83 = tpu.memref_slice %arg18[%dma_start3A_82] : memref<10240xf32, #tpu.memory_space<vmem_shared>> -> memref<10240xf32, #tpu.memory_space<vmem_shared>>
      tpu.enqueue_indirect_dma source(%arg16 : memref<128xf32, #tpu.memory_space<vmem>>) target(%dma_start3A_83 : memref<10240xf32, #tpu.memory_space<vmem_shared>>) offsets(%arg13 : memref<128xi32, #tpu.memory_space<vmem>>) semaphore(%arg23 : memref<!tpu.dma_semaphore, #tpu.memory_space<semaphore_mem>>) {add = true}
      %dma_wait3A_84 = arith.constant 0 : i32
      %dma_wait3A_85 = arith.constant 0 : i32
      %dma_wait3A_86 = tpu.memref_slice %arg17[%dma_wait3A_84, %dma_wait3A_85] : memref<10240x128xf32, #tpu.memory_space<vmem_shared>> -> memref<10240x128xf32, #tpu.memory_space<vmem_shared>>
      tpu.wait_indirect_dma semaphore(%arg21 : memref<!tpu.dma_semaphore, #tpu.memory_space<semaphore_mem>>) src(%arg14 : memref<128x128xf32, #tpu.memory_space<vmem>>) dst(%dma_wait3A_86 : memref<10240x128xf32, #tpu.memory_space<vmem_shared>>)
      %dma_wait3A_87 = arith.constant 0 : i32
      %dma_wait3A_88 = tpu.memref_slice %arg18[%dma_wait3A_87] : memref<10240xf32, #tpu.memory_space<vmem_shared>> -> memref<10240xf32, #tpu.memory_space<vmem_shared>>
      tpu.wait_indirect_dma semaphore(%arg23 : memref<!tpu.dma_semaphore, #tpu.memory_space<semaphore_mem>>) src(%arg16 : memref<128xf32, #tpu.memory_space<vmem>>) dst(%dma_wait3A_88 : memref<10240xf32, #tpu.memory_space<vmem_shared>>)
      %add3A_89 = arith.constant 1 : i32
      %add3A_90 = arith.addi %add3A_75, %add3A_89 : i32
      %add3A_91 = arith.addi %mul3A_2, %add3A_90 : i32
      %mul3A_92 = arith.constant 128 : i32
      %mul3A_93 = arith.muli %add3A_91, %mul3A_92 : i32
      "tpu.region"() ({
        %run_scoped3A = tpu.sem_alloc : memref<!tpu.dma_semaphore, #tpu.memory_space<semaphore_mem>>
        %dma_start3A_124 = tpu.memref_slice %arg3[%mul3A_93] : memref<327680xi32, #tpu.memory_space<hbm>> -> memref<128xi32, #tpu.memory_space<hbm>>
        %dma_start3A_125 = tpu.memref_slice %arg3[%mul3A_93] : memref<327680xi32, #tpu.memory_space<hbm>> -> memref<128xi32, #tpu.memory_space<hbm>>
        tpu.enqueue_dma source(%dma_start3A_125 : memref<128xi32, #tpu.memory_space<hbm>>) target(%arg10 : memref<128xi32, #tpu.memory_space<vmem>>) target_semaphore(%run_scoped3A : memref<!tpu.dma_semaphore, #tpu.memory_space<semaphore_mem>>)
        %dma_wait3A_126 = tpu.memref_slice %arg3[%mul3A_93] : memref<327680xi32, #tpu.memory_space<hbm>> -> memref<128xi32, #tpu.memory_space<hbm>>
        %dma_wait3A_127 = tpu.memref_slice %arg3[%mul3A_93] : memref<327680xi32, #tpu.memory_space<hbm>> -> memref<128xi32, #tpu.memory_space<hbm>>
        tpu.wait_dma2 semaphore(%run_scoped3A : memref<!tpu.dma_semaphore, #tpu.memory_space<semaphore_mem>>) src(%dma_wait3A_127 : memref<128xi32, #tpu.memory_space<hbm>>) dst(%arg10 : memref<128xi32, #tpu.memory_space<vmem>>)
        tpu.yield
      }) : () -> ()
      %add3A_94 = arith.addi %mul3A_2, %add3A_90 : i32
      %mul3A_95 = arith.constant 128 : i32
      %mul3A_96 = arith.muli %add3A_94, %mul3A_95 : i32
      "tpu.region"() ({
        %run_scoped3A = tpu.sem_alloc : memref<!tpu.dma_semaphore, #tpu.memory_space<semaphore_mem>>
        %dma_start3A_124 = tpu.memref_slice %arg4[%mul3A_96] : memref<327680xi32, #tpu.memory_space<hbm>> -> memref<128xi32, #tpu.memory_space<hbm>>
        %dma_start3A_125 = tpu.memref_slice %arg4[%mul3A_96] : memref<327680xi32, #tpu.memory_space<hbm>> -> memref<128xi32, #tpu.memory_space<hbm>>
        tpu.enqueue_dma source(%dma_start3A_125 : memref<128xi32, #tpu.memory_space<hbm>>) target(%arg12 : memref<128xi32, #tpu.memory_space<vmem>>) target_semaphore(%run_scoped3A : memref<!tpu.dma_semaphore, #tpu.memory_space<semaphore_mem>>)
        %dma_wait3A_126 = tpu.memref_slice %arg4[%mul3A_96] : memref<327680xi32, #tpu.memory_space<hbm>> -> memref<128xi32, #tpu.memory_space<hbm>>
        %dma_wait3A_127 = tpu.memref_slice %arg4[%mul3A_96] : memref<327680xi32, #tpu.memory_space<hbm>> -> memref<128xi32, #tpu.memory_space<hbm>>
        tpu.wait_dma2 semaphore(%run_scoped3A : memref<!tpu.dma_semaphore, #tpu.memory_space<semaphore_mem>>) src(%dma_wait3A_127 : memref<128xi32, #tpu.memory_space<hbm>>) dst(%arg12 : memref<128xi32, #tpu.memory_space<vmem>>)
        tpu.yield
      }) : () -> ()
      %dma_start3A_97 = arith.constant 0 : i32
      %dma_start3A_98 = arith.constant 0 : i32
      %dma_start3A_99 = tpu.memref_slice %arg2[%dma_start3A_97, %dma_start3A_98] : memref<10000x128xf32, #tpu.memory_space<hbm>> -> memref<10000x128xf32, #tpu.memory_space<hbm>>
      tpu.enqueue_indirect_dma source(%dma_start3A_99 : memref<10000x128xf32, #tpu.memory_space<hbm>>) target(%arg14 : memref<128x128xf32, #tpu.memory_space<vmem>>) offsets(%arg10 : memref<128xi32, #tpu.memory_space<vmem>>) semaphore(%arg19 : memref<!tpu.dma_semaphore, #tpu.memory_space<semaphore_mem>>)
      %dma_wait3A_100 = arith.constant 0 : i32
      %dma_wait3A_101 = arith.constant 0 : i32
      %dma_wait3A_102 = tpu.memref_slice %arg2[%dma_wait3A_100, %dma_wait3A_101] : memref<10000x128xf32, #tpu.memory_space<hbm>> -> memref<10000x128xf32, #tpu.memory_space<hbm>>
      tpu.wait_indirect_dma semaphore(%arg19 : memref<!tpu.dma_semaphore, #tpu.memory_space<semaphore_mem>>) src(%dma_wait3A_102 : memref<10000x128xf32, #tpu.memory_space<hbm>>) dst(%arg14 : memref<128x128xf32, #tpu.memory_space<vmem>>)
      %dma_start3A_103 = arith.constant 0 : i32
      %dma_start3A_104 = arith.constant 0 : i32
      %dma_start3A_105 = tpu.memref_slice %arg17[%dma_start3A_103, %dma_start3A_104] : memref<10240x128xf32, #tpu.memory_space<vmem_shared>> -> memref<10240x128xf32, #tpu.memory_space<vmem_shared>>
      tpu.enqueue_indirect_dma source(%arg14 : memref<128x128xf32, #tpu.memory_space<vmem>>) target(%dma_start3A_105 : memref<10240x128xf32, #tpu.memory_space<vmem_shared>>) offsets(%arg12 : memref<128xi32, #tpu.memory_space<vmem>>) semaphore(%arg21 : memref<!tpu.dma_semaphore, #tpu.memory_space<semaphore_mem>>) {add = true}
      %dma_start3A_106 = arith.constant 0 : i32
      %dma_start3A_107 = tpu.memref_slice %arg18[%dma_start3A_106] : memref<10240xf32, #tpu.memory_space<vmem_shared>> -> memref<10240xf32, #tpu.memory_space<vmem_shared>>
      tpu.enqueue_indirect_dma source(%arg16 : memref<128xf32, #tpu.memory_space<vmem>>) target(%dma_start3A_107 : memref<10240xf32, #tpu.memory_space<vmem_shared>>) offsets(%arg12 : memref<128xi32, #tpu.memory_space<vmem>>) semaphore(%arg23 : memref<!tpu.dma_semaphore, #tpu.memory_space<semaphore_mem>>) {add = true}
      %dma_wait3A_108 = arith.constant 0 : i32
      %dma_wait3A_109 = arith.constant 0 : i32
      %dma_wait3A_110 = tpu.memref_slice %arg17[%dma_wait3A_108, %dma_wait3A_109] : memref<10240x128xf32, #tpu.memory_space<vmem_shared>> -> memref<10240x128xf32, #tpu.memory_space<vmem_shared>>
      tpu.wait_indirect_dma semaphore(%arg22 : memref<!tpu.dma_semaphore, #tpu.memory_space<semaphore_mem>>) src(%arg15 : memref<128x128xf32, #tpu.memory_space<vmem>>) dst(%dma_wait3A_110 : memref<10240x128xf32, #tpu.memory_space<vmem_shared>>)
      %dma_wait3A_111 = arith.constant 0 : i32
      %dma_wait3A_112 = tpu.memref_slice %arg18[%dma_wait3A_111] : memref<10240xf32, #tpu.memory_space<vmem_shared>> -> memref<10240xf32, #tpu.memory_space<vmem_shared>>
      tpu.wait_indirect_dma semaphore(%arg23 : memref<!tpu.dma_semaphore, #tpu.memory_space<semaphore_mem>>) src(%arg16 : memref<128xf32, #tpu.memory_space<vmem>>) dst(%dma_wait3A_112 : memref<10240xf32, #tpu.memory_space<vmem_shared>>)
      %add3A_113 = arith.constant 2 : i32
      %add3A_114 = arith.addi %add3A_75, %add3A_113 : i32
      %add3A_115 = arith.addi %mul3A_2, %add3A_114 : i32
      %mul3A_116 = arith.constant 128 : i32
      %mul3A_117 = arith.muli %add3A_115, %mul3A_116 : i32
      "tpu.region"() ({
        %run_scoped3A = tpu.sem_alloc : memref<!tpu.dma_semaphore, #tpu.memory_space<semaphore_mem>>
        %dma_start3A_124 = tpu.memref_slice %arg3[%mul3A_117] : memref<327680xi32, #tpu.memory_space<hbm>> -> memref<128xi32, #tpu.memory_space<hbm>>
        %dma_start3A_125 = tpu.memref_slice %arg3[%mul3A_117] : memref<327680xi32, #tpu.memory_space<hbm>> -> memref<128xi32, #tpu.memory_space<hbm>>
        tpu.enqueue_dma source(%dma_start3A_125 : memref<128xi32, #tpu.memory_space<hbm>>) target(%arg11 : memref<128xi32, #tpu.memory_space<vmem>>) target_semaphore(%run_scoped3A : memref<!tpu.dma_semaphore, #tpu.memory_space<semaphore_mem>>)
        %dma_wait3A_126 = tpu.memref_slice %arg3[%mul3A_117] : memref<327680xi32, #tpu.memory_space<hbm>> -> memref<128xi32, #tpu.memory_space<hbm>>
        %dma_wait3A_127 = tpu.memref_slice %arg3[%mul3A_117] : memref<327680xi32, #tpu.memory_space<hbm>> -> memref<128xi32, #tpu.memory_space<hbm>>
        tpu.wait_dma2 semaphore(%run_scoped3A : memref<!tpu.dma_semaphore, #tpu.memory_space<semaphore_mem>>) src(%dma_wait3A_127 : memref<128xi32, #tpu.memory_space<hbm>>) dst(%arg11 : memref<128xi32, #tpu.memory_space<vmem>>)
        tpu.yield
      }) : () -> ()
      %add3A_118 = arith.addi %mul3A_2, %add3A_114 : i32
      %mul3A_119 = arith.constant 128 : i32
      %mul3A_120 = arith.muli %add3A_118, %mul3A_119 : i32
      "tpu.region"() ({
        %run_scoped3A = tpu.sem_alloc : memref<!tpu.dma_semaphore, #tpu.memory_space<semaphore_mem>>
        %dma_start3A_124 = tpu.memref_slice %arg4[%mul3A_120] : memref<327680xi32, #tpu.memory_space<hbm>> -> memref<128xi32, #tpu.memory_space<hbm>>
        %dma_start3A_125 = tpu.memref_slice %arg4[%mul3A_120] : memref<327680xi32, #tpu.memory_space<hbm>> -> memref<128xi32, #tpu.memory_space<hbm>>
        tpu.enqueue_dma source(%dma_start3A_125 : memref<128xi32, #tpu.memory_space<hbm>>) target(%arg13 : memref<128xi32, #tpu.memory_space<vmem>>) target_semaphore(%run_scoped3A : memref<!tpu.dma_semaphore, #tpu.memory_space<semaphore_mem>>)
        %dma_wait3A_126 = tpu.memref_slice %arg4[%mul3A_120] : memref<327680xi32, #tpu.memory_space<hbm>> -> memref<128xi32, #tpu.memory_space<hbm>>
        %dma_wait3A_127 = tpu.memref_slice %arg4[%mul3A_120] : memref<327680xi32, #tpu.memory_space<hbm>> -> memref<128xi32, #tpu.memory_space<hbm>>
        tpu.wait_dma2 semaphore(%run_scoped3A : memref<!tpu.dma_semaphore, #tpu.memory_space<semaphore_mem>>) src(%dma_wait3A_127 : memref<128xi32, #tpu.memory_space<hbm>>) dst(%arg13 : memref<128xi32, #tpu.memory_space<vmem>>)
        tpu.yield
      }) : () -> ()
      %dma_start3A_121 = arith.constant 0 : i32
      %dma_start3A_122 = arith.constant 0 : i32
      %dma_start3A_123 = tpu.memref_slice %arg2[%dma_start3A_121, %dma_start3A_122] : memref<10000x128xf32, #tpu.memory_space<hbm>> -> memref<10000x128xf32, #tpu.memory_space<hbm>>
      tpu.enqueue_indirect_dma source(%dma_start3A_123 : memref<10000x128xf32, #tpu.memory_space<hbm>>) target(%arg15 : memref<128x128xf32, #tpu.memory_space<vmem>>) offsets(%arg11 : memref<128xi32, #tpu.memory_space<vmem>>) semaphore(%arg20 : memref<!tpu.dma_semaphore, #tpu.memory_space<semaphore_mem>>)
    }
    %scan3A_43 = arith.constant 39 : i32
    %dma_wait3A_44 = arith.constant 0 : i32
    %dma_wait3A_45 = arith.constant 0 : i32
    %dma_wait3A_46 = tpu.memref_slice %arg2[%dma_wait3A_44, %dma_wait3A_45] : memref<10000x128xf32, #tpu.memory_space<hbm>> -> memref<10000x128xf32, #tpu.memory_space<hbm>>
    tpu.wait_indirect_dma semaphore(%arg20 : memref<!tpu.dma_semaphore, #tpu.memory_space<semaphore_mem>>) src(%dma_wait3A_46 : memref<10000x128xf32, #tpu.memory_space<hbm>>) dst(%arg15 : memref<128x128xf32, #tpu.memory_space<vmem>>)
    %dma_start3A_47 = arith.constant 0 : i32
    %dma_start3A_48 = arith.constant 0 : i32
    %dma_start3A_49 = tpu.memref_slice %arg17[%dma_start3A_47, %dma_start3A_48] : memref<10240x128xf32, #tpu.memory_space<vmem_shared>> -> memref<10240x128xf32, #tpu.memory_space<vmem_shared>>
    tpu.enqueue_indirect_dma source(%arg15 : memref<128x128xf32, #tpu.memory_space<vmem>>) target(%dma_start3A_49 : memref<10240x128xf32, #tpu.memory_space<vmem_shared>>) offsets(%arg13 : memref<128xi32, #tpu.memory_space<vmem>>) semaphore(%arg22 : memref<!tpu.dma_semaphore, #tpu.memory_space<semaphore_mem>>) {add = true}
    %dma_start3A_50 = arith.constant 0 : i32
    %dma_start3A_51 = tpu.memref_slice %arg18[%dma_start3A_50] : memref<10240xf32, #tpu.memory_space<vmem_shared>> -> memref<10240xf32, #tpu.memory_space<vmem_shared>>
    tpu.enqueue_indirect_dma source(%arg16 : memref<128xf32, #tpu.memory_space<vmem>>) target(%dma_start3A_51 : memref<10240xf32, #tpu.memory_space<vmem_shared>>) offsets(%arg13 : memref<128xi32, #tpu.memory_space<vmem>>) semaphore(%arg23 : memref<!tpu.dma_semaphore, #tpu.memory_space<semaphore_mem>>) {add = true}
    %dma_wait3A_52 = arith.constant 0 : i32
    %dma_wait3A_53 = arith.constant 0 : i32
    %dma_wait3A_54 = tpu.memref_slice %arg17[%dma_wait3A_52, %dma_wait3A_53] : memref<10240x128xf32, #tpu.memory_space<vmem_shared>> -> memref<10240x128xf32, #tpu.memory_space<vmem_shared>>
    tpu.wait_indirect_dma semaphore(%arg21 : memref<!tpu.dma_semaphore, #tpu.memory_space<semaphore_mem>>) src(%arg14 : memref<128x128xf32, #tpu.memory_space<vmem>>) dst(%dma_wait3A_54 : memref<10240x128xf32, #tpu.memory_space<vmem_shared>>)
    %dma_wait3A_55 = arith.constant 0 : i32
    %dma_wait3A_56 = tpu.memref_slice %arg18[%dma_wait3A_55] : memref<10240xf32, #tpu.memory_space<vmem_shared>> -> memref<10240xf32, #tpu.memory_space<vmem_shared>>
    tpu.wait_indirect_dma semaphore(%arg23 : memref<!tpu.dma_semaphore, #tpu.memory_space<semaphore_mem>>) src(%arg16 : memref<128xf32, #tpu.memory_space<vmem>>) dst(%dma_wait3A_56 : memref<10240xf32, #tpu.memory_space<vmem_shared>>)
    %dma_wait3A_57 = arith.constant 0 : i32
    %dma_wait3A_58 = arith.constant 0 : i32
    %dma_wait3A_59 = tpu.memref_slice %arg17[%dma_wait3A_57, %dma_wait3A_58] : memref<10240x128xf32, #tpu.memory_space<vmem_shared>> -> memref<10240x128xf32, #tpu.memory_space<vmem_shared>>
    tpu.wait_indirect_dma semaphore(%arg22 : memref<!tpu.dma_semaphore, #tpu.memory_space<semaphore_mem>>) src(%arg15 : memref<128x128xf32, #tpu.memory_space<vmem>>) dst(%dma_wait3A_59 : memref<10240x128xf32, #tpu.memory_space<vmem_shared>>)
    %dma_wait3A_60 = arith.constant 0 : i32
    %dma_wait3A_61 = tpu.memref_slice %arg18[%dma_wait3A_60] : memref<10240xf32, #tpu.memory_space<vmem_shared>> -> memref<10240xf32, #tpu.memory_space<vmem_shared>>
    tpu.wait_indirect_dma semaphore(%arg23 : memref<!tpu.dma_semaphore, #tpu.memory_space<semaphore_mem>>) src(%arg16 : memref<128xf32, #tpu.memory_space<vmem>>) dst(%dma_wait3A_61 : memref<10240xf32, #tpu.memory_space<vmem_shared>>)
    %barrier3A_62 = arith.constant 0 : index
    tpu.barrier barrier_id(%barrier3A_62)
    %mul3A_63 = arith.constant 640 : i32
    %mul3A_64 = arith.muli %arg1, %mul3A_63 : i32
    %mul3A_65 = arith.constant 640 : i32
    %mul3A_66 = arith.muli %arg1, %mul3A_65 : i32
    "tpu.region"() ({
      %run_scoped3A = tpu.sem_alloc : memref<!tpu.dma_semaphore, #tpu.memory_space<semaphore_mem>>
      %dma_start3A_71 = arith.constant 0 : i32
      %dma_start3A_72 = tpu.memref_slice %arg8[%arg0, %mul3A_66, %dma_start3A_71] : memref<2x10240x128xf32, #tpu.memory_space<hbm>> -> memref<1x640x128xf32, #tpu.memory_space<hbm>>
      %dma_start3A_73 = tpu.memref_squeeze %dma_start3A_72 : memref<1x640x128xf32, #tpu.memory_space<hbm>> -> memref<640x128xf32, #tpu.memory_space<hbm>>
      %dma_start3A_74 = arith.constant 0 : i32
      %dma_start3A_75 = tpu.memref_slice %arg17[%mul3A_64, %dma_start3A_74] : memref<10240x128xf32, #tpu.memory_space<vmem_shared>> -> memref<640x128xf32, #tpu.memory_space<vmem_shared>>
      tpu.enqueue_dma source(%dma_start3A_75 : memref<640x128xf32, #tpu.memory_space<vmem_shared>>) target(%dma_start3A_73 : memref<640x128xf32, #tpu.memory_space<hbm>>) target_semaphore(%run_scoped3A : memref<!tpu.dma_semaphore, #tpu.memory_space<semaphore_mem>>)
      %dma_wait3A_76 = arith.constant 0 : i32
      %dma_wait3A_77 = tpu.memref_slice %arg8[%arg0, %mul3A_66, %dma_wait3A_76] : memref<2x10240x128xf32, #tpu.memory_space<hbm>> -> memref<1x640x128xf32, #tpu.memory_space<hbm>>
      %dma_wait3A_78 = tpu.memref_squeeze %dma_wait3A_77 : memref<1x640x128xf32, #tpu.memory_space<hbm>> -> memref<640x128xf32, #tpu.memory_space<hbm>>
      %dma_wait3A_79 = arith.constant 0 : i32
      %dma_wait3A_80 = tpu.memref_slice %arg17[%mul3A_64, %dma_wait3A_79] : memref<10240x128xf32, #tpu.memory_space<vmem_shared>> -> memref<640x128xf32, #tpu.memory_space<vmem_shared>>
      tpu.wait_dma2 semaphore(%run_scoped3A : memref<!tpu.dma_semaphore, #tpu.memory_space<semaphore_mem>>) src(%dma_wait3A_80 : memref<640x128xf32, #tpu.memory_space<vmem_shared>>) dst(%dma_wait3A_78 : memref<640x128xf32, #tpu.memory_space<hbm>>)
      tpu.yield
    }) : () -> ()
    %mul3A_67 = arith.constant 640 : i32
    %mul3A_68 = arith.muli %arg1, %mul3A_67 : i32
    %mul3A_69 = arith.constant 640 : i32
    %mul3A_70 = arith.muli %arg1, %mul3A_69 : i32
    "tpu.region"() ({
      %run_scoped3A = tpu.sem_alloc : memref<!tpu.dma_semaphore, #tpu.memory_space<semaphore_mem>>
      %dma_start3A_71 = tpu.memref_slice %arg9[%arg0, %mul3A_70] : memref<2x10240xf32, #tpu.memory_space<hbm>> -> memref<1x640xf32, #tpu.memory_space<hbm>>
      %dma_start3A_72 = tpu.memref_squeeze %dma_start3A_71 : memref<1x640xf32, #tpu.memory_space<hbm>> -> memref<640xf32, #tpu.memory_space<hbm>>
      %dma_start3A_73 = tpu.memref_slice %arg18[%mul3A_68] : memref<10240xf32, #tpu.memory_space<vmem_shared>> -> memref<640xf32, #tpu.memory_space<vmem_shared>>
      tpu.enqueue_dma source(%dma_start3A_73 : memref<640xf32, #tpu.memory_space<vmem_shared>>) target(%dma_start3A_72 : memref<640xf32, #tpu.memory_space<hbm>>) target_semaphore(%run_scoped3A : memref<!tpu.dma_semaphore, #tpu.memory_space<semaphore_mem>>)
      %dma_wait3A_74 = tpu.memref_slice %arg9[%arg0, %mul3A_70] : memref<2x10240xf32, #tpu.memory_space<hbm>> -> memref<1x640xf32, #tpu.memory_space<hbm>>
      %dma_wait3A_75 = tpu.memref_squeeze %dma_wait3A_74 : memref<1x640xf32, #tpu.memory_space<hbm>> -> memref<640xf32, #tpu.memory_space<hbm>>
      %dma_wait3A_76 = tpu.memref_slice %arg18[%mul3A_68] : memref<10240xf32, #tpu.memory_space<vmem_shared>> -> memref<640xf32, #tpu.memory_space<vmem_shared>>
      tpu.wait_dma2 semaphore(%run_scoped3A : memref<!tpu.dma_semaphore, #tpu.memory_space<semaphore_mem>>) src(%dma_wait3A_76 : memref<640xf32, #tpu.memory_space<vmem_shared>>) dst(%dma_wait3A_75 : memref<640xf32, #tpu.memory_space<hbm>>)
      tpu.yield
    }) : () -> ()
    return
  }
}

module attributes {stable_mosaic.version = 14 : i64} {
  func.func @_tc_layer1_body(%arg0: i32, %arg1: memref<1000x128xf32, #tpu.memory_space<vmem>>, %arg2: memref<1000x128xf32, #tpu.memory_space<vmem>>, %arg3: memref<1000x1xf32, #tpu.memory_space<vmem>>, %arg4: memref<1000x1xf32, #tpu.memory_space<vmem>>, %arg5: memref<1000x128xf32, #tpu.memory_space<vmem>>, %arg6: memref<128x128xf32, #tpu.memory_space<vmem>>, %arg7: memref<128x128xf32, #tpu.memory_space<vmem>>, %arg8: memref<1x128xf32, #tpu.memory_space<vmem>>, %arg9: memref<1000x128xf32, #tpu.memory_space<vmem>>) attributes {dimension_semantics = [#tpu.dimension_semantics<arbitrary>], iteration_bounds = array<i64: 10>, scalar_prefetch = 0 : i64, scratch_operands = 0 : i64, tpu.core_type = #tpu.core_type<tc>, window_params = [{transform_indices = @transform_0, window_bounds = array<i64: 1000, 128>}, {transform_indices = @transform_1, window_bounds = array<i64: 1000, 128>}, {transform_indices = @transform_2, window_bounds = array<i64: 1000, 1>}, {transform_indices = @transform_3, window_bounds = array<i64: 1000, 1>}, {transform_indices = @transform_4, window_bounds = array<i64: 1000, 128>}, {pipeline_mode = #tpu.pipeline_mode<synchronous>, transform_indices = @transform_5, window_bounds = array<i64: 128, 128>}, {pipeline_mode = #tpu.pipeline_mode<synchronous>, transform_indices = @transform_6, window_bounds = array<i64: 128, 128>}, {pipeline_mode = #tpu.pipeline_mode<synchronous>, transform_indices = @transform_7, window_bounds = array<i64: 1, 128>}, {transform_indices = @transform_8, window_bounds = array<i64: 1000, 128>}]} {
    %get3A = arith.constant 0 : index
    %get3A_0 = arith.constant 0 : index
    %get3A_1 = vector.load %arg3[%get3A, %get3A_0] : memref<1000x1xf32, #tpu.memory_space<vmem>>, vector<1000x1xf32>
    %get3A_2 = arith.constant 0 : index
    %get3A_3 = arith.constant 0 : index
    %get3A_4 = vector.load %arg4[%get3A_2, %get3A_3] : memref<1000x1xf32, #tpu.memory_space<vmem>>, vector<1000x1xf32>
    %add3A = arith.addf %get3A_1, %get3A_4 : vector<1000x1xf32>
    %max3A = arith.constant 1.000000e+00 : f32
    %max3A_5 = vector.broadcast %max3A : f32 to vector<1000x1xf32>
    %max3A_6 = arith.maximumf %add3A, %max3A_5 : vector<1000x1xf32>
    %get3A_7 = arith.constant 0 : index
    %get3A_8 = arith.constant 0 : index
    %get3A_9 = vector.load %arg1[%get3A_7, %get3A_8] : memref<1000x128xf32, #tpu.memory_space<vmem>>, vector<1000x128xf32>
    %get3A_10 = arith.constant 0 : index
    %get3A_11 = arith.constant 0 : index
    %get3A_12 = vector.load %arg2[%get3A_10, %get3A_11] : memref<1000x128xf32, #tpu.memory_space<vmem>>, vector<1000x128xf32>
    %add3A_13 = arith.addf %get3A_9, %get3A_12 : vector<1000x128xf32>
    %div3A = vector.broadcast %max3A_6 : vector<1000x1xf32> to vector<1000x128xf32>
    %div3A_14 = arith.divf %add3A_13, %div3A : vector<1000x128xf32>
    %get3A_15 = arith.constant 0 : index
    %get3A_16 = arith.constant 0 : index
    %get3A_17 = vector.load %arg6[%get3A_15, %get3A_16] : memref<128x128xf32, #tpu.memory_space<vmem>>, vector<128x128xf32>
    %dot_general3A = arith.constant dense<0.000000e+00> : vector<1000x128xf32>
    %dot_general3A_18 = tpu.matmul %div3A_14, %get3A_17, %dot_general3A {dimension_numbers = #tpu.dot_dimension_numbers<[1], [0], [0], [1], [0, 0, 1, 1], [], []>, transpose_lhs_hint = false} : vector<1000x128xf32>, vector<128x128xf32>, vector<1000x128xf32> -> vector<1000x128xf32>
    %get3A_19 = arith.constant 0 : index
    %get3A_20 = arith.constant 0 : index
    %get3A_21 = vector.load %arg5[%get3A_19, %get3A_20] : memref<1000x128xf32, #tpu.memory_space<vmem>>, vector<1000x128xf32>
    %get3A_22 = arith.constant 0 : index
    %get3A_23 = arith.constant 0 : index
    %get3A_24 = vector.load %arg7[%get3A_22, %get3A_23] : memref<128x128xf32, #tpu.memory_space<vmem>>, vector<128x128xf32>
    %dot_general3A_25 = arith.constant dense<0.000000e+00> : vector<1000x128xf32>
    %dot_general3A_26 = tpu.matmul %get3A_21, %get3A_24, %dot_general3A_25 {dimension_numbers = #tpu.dot_dimension_numbers<[1], [0], [0], [1], [0, 0, 1, 1], [], []>, transpose_lhs_hint = false} : vector<1000x128xf32>, vector<128x128xf32>, vector<1000x128xf32> -> vector<1000x128xf32>
    %add3A_27 = arith.addf %dot_general3A_18, %dot_general3A_26 : vector<1000x128xf32>
    %get3A_28 = arith.constant 0 : index
    %get3A_29 = arith.constant 0 : index
    %get3A_30 = vector.load %arg8[%get3A_28, %get3A_29] : memref<1x128xf32, #tpu.memory_space<vmem>>, vector<1x128xf32>
    %add3A_31 = vector.broadcast %get3A_30 : vector<1x128xf32> to vector<1000x128xf32>
    %add3A_32 = arith.addf %add3A_27, %add3A_31 : vector<1000x128xf32>
    %max3A_33 = arith.constant 0.000000e+00 : f32
    %max3A_34 = vector.broadcast %max3A_33 : f32 to vector<1000x128xf32>
    %max3A_35 = arith.maximumf %add3A_32, %max3A_34 : vector<1000x128xf32>
    %swap3A = arith.constant 0 : index
    %swap3A_36 = arith.constant 0 : index
    %swap3A_37 = vector.load %arg9[%swap3A, %swap3A_36] : memref<1000x128xf32, #tpu.memory_space<vmem>>, vector<1000x128xf32>
    tpu.vector_store %arg9[%swap3A, %swap3A_36], %max3A_35 {strides = array<i32>} : memref<1000x128xf32, #tpu.memory_space<vmem>>, vector<1000x128xf32>,
    return
  }
  func.func @transform_0(%arg0: i32) -> (i32, i32) {
    %c0_i32 = arith.constant 0 : i32
    %c0_i32_0 = arith.constant 0 : i32
    return %arg0, %c0_i32 : i32, i32
  }
  func.func @transform_1(%arg0: i32) -> (i32, i32) {
    %c0_i32 = arith.constant 0 : i32
    %c0_i32_0 = arith.constant 0 : i32
    return %arg0, %c0_i32 : i32, i32
  }
  func.func @transform_2(%arg0: i32) -> (i32, i32) {
    %c0_i32 = arith.constant 0 : i32
    %c0_i32_0 = arith.constant 0 : i32
    return %arg0, %c0_i32 : i32, i32
  }
  func.func @transform_3(%arg0: i32) -> (i32, i32) {
    %c0_i32 = arith.constant 0 : i32
    %c0_i32_0 = arith.constant 0 : i32
    return %arg0, %c0_i32 : i32, i32
  }
  func.func @transform_4(%arg0: i32) -> (i32, i32) {
    %c0_i32 = arith.constant 0 : i32
    %c0_i32_0 = arith.constant 0 : i32
    return %arg0, %c0_i32 : i32, i32
  }
  func.func @transform_5(%arg0: i32) -> (i32, i32) {
    %c0_i32 = arith.constant 0 : i32
    %c0_i32_0 = arith.constant 0 : i32
    %c0_i32_1 = arith.constant 0 : i32
    return %c0_i32, %c0_i32_0 : i32, i32
  }
  func.func @transform_6(%arg0: i32) -> (i32, i32) {
    %c0_i32 = arith.constant 0 : i32
    %c0_i32_0 = arith.constant 0 : i32
    %c0_i32_1 = arith.constant 0 : i32
    return %c0_i32, %c0_i32_0 : i32, i32
  }
  func.func @transform_7(%arg0: i32) -> (i32, i32) {
    %c0_i32 = arith.constant 0 : i32
    %c0_i32_0 = arith.constant 0 : i32
    %c0_i32_1 = arith.constant 0 : i32
    return %c0_i32, %c0_i32_0 : i32, i32
  }
  func.func @transform_8(%arg0: i32) -> (i32, i32) {
    %c0_i32 = arith.constant 0 : i32
    %c0_i32_0 = arith.constant 0 : i32
    return %arg0, %c0_i32 : i32, i32
  }
}

module attributes {stable_mosaic.version = 14 : i64} {
  func.func @_tc_layer2_body(%arg0: i32, %arg1: memref<1000x128xf32, #tpu.memory_space<vmem>>, %arg2: memref<1000x128xf32, #tpu.memory_space<vmem>>, %arg3: memref<1000x1xf32, #tpu.memory_space<vmem>>, %arg4: memref<1000x1xf32, #tpu.memory_space<vmem>>, %arg5: memref<1000x128xf32, #tpu.memory_space<vmem>>, %arg6: memref<128x128xf32, #tpu.memory_space<vmem>>, %arg7: memref<128x128xf32, #tpu.memory_space<vmem>>, %arg8: memref<1x128xf32, #tpu.memory_space<vmem>>, %arg9: memref<128x1xf32, #tpu.memory_space<vmem>>, %arg10: memref<1x1xf32, #tpu.memory_space<vmem>>, %arg11: memref<1000x1xf32, #tpu.memory_space<vmem>>) attributes {dimension_semantics = [#tpu.dimension_semantics<arbitrary>], iteration_bounds = array<i64: 10>, scalar_prefetch = 0 : i64, scratch_operands = 0 : i64, tpu.core_type = #tpu.core_type<tc>, window_params = [{transform_indices = @transform_0, window_bounds = array<i64: 1000, 128>}, {transform_indices = @transform_1, window_bounds = array<i64: 1000, 128>}, {transform_indices = @transform_2, window_bounds = array<i64: 1000, 1>}, {transform_indices = @transform_3, window_bounds = array<i64: 1000, 1>}, {transform_indices = @transform_4, window_bounds = array<i64: 1000, 128>}, {pipeline_mode = #tpu.pipeline_mode<synchronous>, transform_indices = @transform_5, window_bounds = array<i64: 128, 128>}, {pipeline_mode = #tpu.pipeline_mode<synchronous>, transform_indices = @transform_6, window_bounds = array<i64: 128, 128>}, {pipeline_mode = #tpu.pipeline_mode<synchronous>, transform_indices = @transform_7, window_bounds = array<i64: 1, 128>}, {pipeline_mode = #tpu.pipeline_mode<synchronous>, transform_indices = @transform_8, window_bounds = array<i64: 128, 1>}, {pipeline_mode = #tpu.pipeline_mode<synchronous>, transform_indices = @transform_9, window_bounds = array<i64: 1, 1>}, {transform_indices = @transform_10, window_bounds = array<i64: 1000, 1>}]} {
    %get3A = arith.constant 0 : index
    %get3A_0 = arith.constant 0 : index
    %get3A_1 = vector.load %arg3[%get3A, %get3A_0] : memref<1000x1xf32, #tpu.memory_space<vmem>>, vector<1000x1xf32>
    %get3A_2 = arith.constant 0 : index
    %get3A_3 = arith.constant 0 : index
    %get3A_4 = vector.load %arg4[%get3A_2, %get3A_3] : memref<1000x1xf32, #tpu.memory_space<vmem>>, vector<1000x1xf32>
    %add3A = arith.addf %get3A_1, %get3A_4 : vector<1000x1xf32>
    %max3A = arith.constant 1.000000e+00 : f32
    %max3A_5 = vector.broadcast %max3A : f32 to vector<1000x1xf32>
    %max3A_6 = arith.maximumf %add3A, %max3A_5 : vector<1000x1xf32>
    %get3A_7 = arith.constant 0 : index
    %get3A_8 = arith.constant 0 : index
    %get3A_9 = vector.load %arg1[%get3A_7, %get3A_8] : memref<1000x128xf32, #tpu.memory_space<vmem>>, vector<1000x128xf32>
    %get3A_10 = arith.constant 0 : index
    %get3A_11 = arith.constant 0 : index
    %get3A_12 = vector.load %arg2[%get3A_10, %get3A_11] : memref<1000x128xf32, #tpu.memory_space<vmem>>, vector<1000x128xf32>
    %add3A_13 = arith.addf %get3A_9, %get3A_12 : vector<1000x128xf32>
    %div3A = vector.broadcast %max3A_6 : vector<1000x1xf32> to vector<1000x128xf32>
    %div3A_14 = arith.divf %add3A_13, %div3A : vector<1000x128xf32>
    %get3A_15 = arith.constant 0 : index
    %get3A_16 = arith.constant 0 : index
    %get3A_17 = vector.load %arg6[%get3A_15, %get3A_16] : memref<128x128xf32, #tpu.memory_space<vmem>>, vector<128x128xf32>
    %dot_general3A = arith.constant dense<0.000000e+00> : vector<1000x128xf32>
    %dot_general3A_18 = tpu.matmul %div3A_14, %get3A_17, %dot_general3A {dimension_numbers = #tpu.dot_dimension_numbers<[1], [0], [0], [1], [0, 0, 1, 1], [], []>, transpose_lhs_hint = false} : vector<1000x128xf32>, vector<128x128xf32>, vector<1000x128xf32> -> vector<1000x128xf32>
    %get3A_19 = arith.constant 0 : index
    %get3A_20 = arith.constant 0 : index
    %get3A_21 = vector.load %arg5[%get3A_19, %get3A_20] : memref<1000x128xf32, #tpu.memory_space<vmem>>, vector<1000x128xf32>
    %get3A_22 = arith.constant 0 : index
    %get3A_23 = arith.constant 0 : index
    %get3A_24 = vector.load %arg7[%get3A_22, %get3A_23] : memref<128x128xf32, #tpu.memory_space<vmem>>, vector<128x128xf32>
    %dot_general3A_25 = arith.constant dense<0.000000e+00> : vector<1000x128xf32>
    %dot_general3A_26 = tpu.matmul %get3A_21, %get3A_24, %dot_general3A_25 {dimension_numbers = #tpu.dot_dimension_numbers<[1], [0], [0], [1], [0, 0, 1, 1], [], []>, transpose_lhs_hint = false} : vector<1000x128xf32>, vector<128x128xf32>, vector<1000x128xf32> -> vector<1000x128xf32>
    %add3A_27 = arith.addf %dot_general3A_18, %dot_general3A_26 : vector<1000x128xf32>
    %get3A_28 = arith.constant 0 : index
    %get3A_29 = arith.constant 0 : index
    %get3A_30 = vector.load %arg8[%get3A_28, %get3A_29] : memref<1x128xf32, #tpu.memory_space<vmem>>, vector<1x128xf32>
    %add3A_31 = vector.broadcast %get3A_30 : vector<1x128xf32> to vector<1000x128xf32>
    %add3A_32 = arith.addf %add3A_27, %add3A_31 : vector<1000x128xf32>
    %max3A_33 = arith.constant 0.000000e+00 : f32
    %max3A_34 = vector.broadcast %max3A_33 : f32 to vector<1000x128xf32>
    %max3A_35 = arith.maximumf %add3A_32, %max3A_34 : vector<1000x128xf32>
    %get3A_36 = arith.constant 0 : index
    %get3A_37 = arith.constant 0 : index
    %get3A_38 = vector.load %arg9[%get3A_36, %get3A_37] : memref<128x1xf32, #tpu.memory_space<vmem>>, vector<128x1xf32>
    %dot_general3A_39 = arith.constant dense<0.000000e+00> : vector<1000x1xf32>
    %dot_general3A_40 = tpu.matmul %max3A_35, %get3A_38, %dot_general3A_39 {dimension_numbers = #tpu.dot_dimension_numbers<[1], [0], [0], [1], [0, 0, 1, 1], [], []>, transpose_lhs_hint = false} : vector<1000x128xf32>, vector<128x1xf32>, vector<1000x1xf32> -> vector<1000x1xf32>
    %get3A_41 = arith.constant 0 : index
    %get3A_42 = arith.constant 0 : index
    %get3A_43 = vector.load %arg10[%get3A_41, %get3A_42] : memref<1x1xf32, #tpu.memory_space<vmem>>, vector<1x1xf32>
    %add3A_44 = vector.broadcast %get3A_43 : vector<1x1xf32> to vector<1000x1xf32>
    %add3A_45 = arith.addf %dot_general3A_40, %add3A_44 : vector<1000x1xf32>
    %swap3A = arith.constant 0 : index
    %swap3A_46 = arith.constant 0 : index
    %swap3A_47 = vector.load %arg11[%swap3A, %swap3A_46] : memref<1000x1xf32, #tpu.memory_space<vmem>>, vector<1000x1xf32>
    tpu.vector_store %arg11[%swap3A, %swap3A_46], %add3A_45 {strides = array<i32>} : memref<1000x1xf32, #tpu.memory_space<vmem>>, vector<1000x1xf32>,
    return
  }
  func.func @transform_0(%arg0: i32) -> (i32, i32) {
    %c0_i32 = arith.constant 0 : i32
    %c0_i32_0 = arith.constant 0 : i32
    return %arg0, %c0_i32 : i32, i32
  }
  func.func @transform_1(%arg0: i32) -> (i32, i32) {
    %c0_i32 = arith.constant 0 : i32
    %c0_i32_0 = arith.constant 0 : i32
    return %arg0, %c0_i32 : i32, i32
  }
  func.func @transform_2(%arg0: i32) -> (i32, i32) {
    %c0_i32 = arith.constant 0 : i32
    %c0_i32_0 = arith.constant 0 : i32
    return %arg0, %c0_i32 : i32, i32
  }
  func.func @transform_3(%arg0: i32) -> (i32, i32) {
    %c0_i32 = arith.constant 0 : i32
    %c0_i32_0 = arith.constant 0 : i32
    return %arg0, %c0_i32 : i32, i32
  }
  func.func @transform_4(%arg0: i32) -> (i32, i32) {
    %c0_i32 = arith.constant 0 : i32
    %c0_i32_0 = arith.constant 0 : i32
    return %arg0, %c0_i32 : i32, i32
  }
  func.func @transform_5(%arg0: i32) -> (i32, i32) {
    %c0_i32 = arith.constant 0 : i32
    %c0_i32_0 = arith.constant 0 : i32
    %c0_i32_1 = arith.constant 0 : i32
    return %c0_i32, %c0_i32_0 : i32, i32
  }
  func.func @transform_6(%arg0: i32) -> (i32, i32) {
    %c0_i32 = arith.constant 0 : i32
    %c0_i32_0 = arith.constant 0 : i32
    %c0_i32_1 = arith.constant 0 : i32
    return %c0_i32, %c0_i32_0 : i32, i32
  }
  func.func @transform_7(%arg0: i32) -> (i32, i32) {
    %c0_i32 = arith.constant 0 : i32
    %c0_i32_0 = arith.constant 0 : i32
    %c0_i32_1 = arith.constant 0 : i32
    return %c0_i32, %c0_i32_0 : i32, i32
  }
  func.func @transform_8(%arg0: i32) -> (i32, i32) {
    %c0_i32 = arith.constant 0 : i32
    %c0_i32_0 = arith.constant 0 : i32
    %c0_i32_1 = arith.constant 0 : i32
    return %c0_i32, %c0_i32_0 : i32, i32
  }
  func.func @transform_9(%arg0: i32) -> (i32, i32) {
    %c0_i32 = arith.constant 0 : i32
    %c0_i32_0 = arith.constant 0 : i32
    %c0_i32_1 = arith.constant 0 : i32
    return %c0_i32, %c0_i32_0 : i32, i32
  }
  func.func @transform_10(%arg0: i32) -> (i32, i32) {
    %c0_i32 = arith.constant 0 : i32
    %c0_i32_0 = arith.constant 0 : i32
    return %arg0, %c0_i32 : i32, i32
  }
}

</mosaic_0001>

<sc_bundles>
// kernel: gather_offload_async_start.1
scs
__scs_entry_jumppad:
0x0: {  	(pc) =	sbr.rel $0x88, $3  }
0x1: {  	(tag) =	ssettag $0x0;
	lr =	simm.s32 $0x1  }
0x2: {  	[smem:$0x3F97] =	sst lr;
	_ =	strace $0xD0000000  }
0x3: {  	_ = 	snop  }
0x4: {  	_ = 	snop  }
0x5: {  	_ = 	snop  }
0x6: {  	_ = 	snop  }
0x7: {  	_ = 	snop  }
__scs_overlays_trampoline_lowered:
0x8: {  	[smem:$0x3FA6] =	sst s0  }
0x9: {  	[smem:$0x3FA7] =	sst s1  }
0xa: {  	[smem:$0x3FA8] =	sst s2  }
0xb: {  	[smem:$0x3FA9] =	sst s3  }
0xc: {  	[smem:$0x3FAA] =	sst s4  }
0xd: {  	[smem:$0x3FAB] =	sst s5  }
0xe: {  	[smem:$0x3FAC] =	sst s6  }
0xf: {  	[smem:$0x3FAD] =	sst s7  }
0x10: {  	[smem:$0x3FAE] =	sst s8  }
0x11: {  	[smem:$0x3FAF] =	sst s9;
	s0 =	simm.s32 @!p0 $0x0  }
0x12: {  	s1 =	sld [smem:$0x3F95];
	s0 =	simm.s32 @p0 $0x1  }
0x13: {  	[smem:$0x3FB0] =	sst s0;
	s0 =	simm.s32 @!p1 $0x0  }
0x14: {  	s2 =	sld [smem:$0x3F94];
	s0 =	simm.s32 @p1 $0x1  }
0x15: {  	[smem:$0x3FB1] =	sst s0;
	s0 =	simm.s32 @!p2 $0x0  }
0x16: {  	s3 =	sld [smem:$0x3FDB];
	s0 =	simm.s32 @p2 $0x1  }
0x17: {  	s4 =	simm.s32 $0x1BF5;
	[smem:$0x3FB3] =	sst s0  }
0x18: {  	s0 =	sld [smem:$0x3F96];
	_ =	swait.ge [sflag:s4], $0x0  }
0x19: {  	s7 =	sld [smem:$0x3F97]  }
0x1a: {  	s8 =	sadd.s32 $0xFFFFE003, lr  }
0x1b: {  	s9 =	sadd.s32 $0xFFFFFEF7, lr;
	s5 =	simm.s32 $0xFFFFFFFF;
	p2 =	slt.u32 s8, $0xFFFFF086  }
0x1c: {  	p1 =	slt.u32 s9, $0xF7A;
	s5 =	simm.s32 @!p2 $0x0  }
0x1d: {  	s5 =	simm.s32 @p1 $0x1;
	p0 =	seq.s32 s7, s2  }
0x1e: {  	s7 =	smul.u32 @!p0 $0xF7A, s2;
	p2 =	seq.s32 @!p0 s5, $0x0  }
0x1f: {  	s9 =	smul.u32 $0xF7A, s1;
	s8 =	simm.s32 @!p0 $0x1BF5;
	p2 =	por !p2, p0  }
0x20: {  	[sflag:s8] =	ssyncset.s32 @!p0 $0xFFFFF086;
	s6 =	sadd.s32 @!p0 s3, s7;
	s7 =	simm.s32 @!p0 $0x108  }
0x21: {  	s3 =	sadd.s32 s3, s9;
	s6 =	sadd.s32 @!p0 $0x88, s6;
	s7 =	simm.s32 @p2 $0x1082  }
0x22: {  	[simem:s7], [sflag:s8] =	dma.local @!p0 [hbm:s6], $0xF7A  }
0x23: {  	s9 =	sor.u32 $0xD0000000, s2;
	s6 =	simm.s32 $0x108;
	_ =	swait.ge @!p0 [sflag:s8], $0x0  }
0x24: {  	s3 =	sadd.s32 $0x88, s3;
	s6 =	simm.s32 @!p1 $0x1082;
	[sflag:s4] =	ssyncset.s32 $0xFFFFF086  }
0x25: {  	[simem:s6], [sflag:s4] =	dma.local [hbm:s3], $0xF7A  }
0x26: {  	[smem:$0x3F97] =	sst s1;
	(tag) =	ssettag s2;
	_ =	strace s9  }
0x27: {  	s1 =	sld [smem:$0x3FA7]  }
0x28: {  	s2 =	sld [smem:$0x3FA8]  }
0x29: {  	s4 =	sld [smem:$0x3FAA]  }
0x2a: {  	p0 =	seq.s32 s5, $0x0;
	s5 =	sld [smem:$0x3FAB]  }
0x2b: {  	s6 =	sld [smem:$0x3FAC]  }
0x2c: {  	s7 =	sld [smem:$0x3FAD]  }
0x2d: {  	s3 =	simm.s32 $0x108;
	s8 =	sld [smem:$0x3FAE]  }
0x2e: {  	s3 =	simm.s32 @!p0 $0x1082;
	s9 =	sld [smem:$0x3FAF]  }
0x2f: {  	lr =	sadd.s32 s0, s3;
	s0 =	sld [smem:$0x3FA6]  }
0x30: {  	s3 =	sld [smem:$0x3FA9]  }
0x31: {  	[smem:$0x3FB2] =	sst s10  }
0x32: {  	s10 =	sld [smem:$0x3FB0];
	_ =	sdelay $0x3  }
0x33: {  	p0 =	seq.s32 s10, $0x1;
	s10 =	sld [smem:$0x3FB2];
	_ =	sdelay $0x3  }
0x34: {  	[smem:$0x3FB2] =	sst s10  }
0x35: {  	s10 =	sld [smem:$0x3FB1];
	_ =	sdelay $0x3  }
0x36: {  	p1 =	seq.s32 s10, $0x1;
	s10 =	sld [smem:$0x3FB2];
	_ =	sdelay $0x3  }
0x37: {  	[smem:$0x3FB2] =	sst s10  }
0x38: {  	s10 =	sld [smem:$0x3FB3]  }
0x39: {  	_ = 	snop;
	(pc) =	sbr.ind lr, $3  }
0x3a: {  	_ = 	snop  }
0x3b: {  	_ = 	snop  }
0x3c: {  	p2 =	seq.s32 s10, $0x1;
	s10 =	sld [smem:$0x3FB2]  }
0x3d: {  	_ =	shalt  }
0x3e: {  	_ =	shalt  }
0x3f: {  	_ =	shalt  }
0x40: {  	_ =	shalt  }
0x41: {  	_ =	shalt  }
0x42: {  	_ =	shalt  }
0x43: {  	_ =	shalt  }
0x44: {  	_ =	shalt  }
0x45: {  	_ =	shalt  }
0x46: {  	_ =	shalt  }
0x47: {  	_ =	shalt  }
0x48: {  	_ =	shalt  }
0x49: {  	_ =	shalt  }
0x4a: {  	_ =	shalt  }
0x4b: {  	_ =	shalt  }
0x4c: {  	_ =	shalt  }
0x4d: {  	_ =	shalt  }
0x4e: {  	_ =	shalt  }
0x4f: {  	_ =	shalt  }
0x50: {  	_ =	shalt  }
0x51: {  	_ =	shalt  }
0x52: {  	_ =	shalt  }
0x53: {  	_ =	shalt  }
0x54: {  	_ =	shalt  }
0x55: {  	_ =	shalt  }
0x56: {  	_ =	shalt  }
0x57: {  	_ =	shalt  }
0x58: {  	_ =	shalt  }
0x59: {  	_ =	shalt  }
0x5a: {  	_ =	shalt  }
0x5b: {  	_ =	shalt  }
0x5c: {  	_ =	shalt  }
0x5d: {  	_ =	shalt  }
0x5e: {  	_ =	shalt  }
0x5f: {  	_ =	shalt  }
0x60: {  	_ =	shalt  }
0x61: {  	_ =	shalt  }
0x62: {  	_ =	shalt  }
0x63: {  	_ =	shalt  }
0x64: {  	_ =	shalt  }
0x65: {  	_ =	shalt  }
0x66: {  	_ =	shalt  }
0x67: {  	_ =	shalt  }
0x68: {  	_ =	shalt  }
0x69: {  	_ =	shalt  }
0x6a: {  	_ =	shalt  }
0x6b: {  	_ =	shalt  }
0x6c: {  	_ =	shalt  }
0x6d: {  	_ =	shalt  }
0x6e: {  	_ =	shalt  }
0x6f: {  	_ =	shalt  }
0x70: {  	_ =	shalt  }
0x71: {  	_ =	shalt  }
0x72: {  	_ =	shalt  }
0x73: {  	_ =	shalt  }
0x74: {  	_ =	shalt  }
0x75: {  	_ =	shalt  }
0x76: {  	_ =	shalt  }
0x77: {  	_ =	shalt  }
0x78: {  	_ =	shalt  }
0x79: {  	_ =	shalt  }
0x7a: {  	_ =	shalt  }
0x7b: {  	_ =	shalt  }
0x7c: {  	_ =	shalt  }
0x7d: {  	_ =	shalt  }
0x7e: {  	_ =	shalt  }
0x7f: {  	_ =	shalt  }
0x80: {  	_ =	shalt  }
0x81: {  	_ =	shalt  }
0x82: {  	_ =	shalt  }
0x83: {  	_ =	shalt  }
0x84: {  	_ =	shalt  }
0x85: {  	_ =	shalt  }
0x86: {  	_ =	shalt  }
0x87: {  	_ =	shalt  }
.Lfunc_end0:
.L_simem_size_0:
called_computation.1_lowered:
.L_overlay_start_0:
0x88: {  	s2 =	sld [smem:$0x3FD9]  }
0x89: {  	s3 =	sld [smem:$0x3FFE];
	_ =	sdelay $0x1  }
0x8a: {  	s1 =	srdreg.scid  }
0x8b: {  	s0 =	sand.u32 $0x1, s1  }
0x8c: {  	s17 =	sshll.u32 s0, $0xA;
	s2 =	sadd.s32 s3, s2  }
0x8d: {  	s2 =	sadd.s32 s2, s17  }
0x8e: {  	[smem:$0x3FBE] =	sst s2  }
0x8f: {  	_ = 	snop  }
0x90: {  	s2 =	sld [smem:$0x3FD0];
	(tm) =	ssettm $0x1  }
0x91: {  	s18 =	sld [smem:$0x3FFB];
	_ =	sdelay $0x3  }
0x92: {  	_ =	strace s18  }
0x93: {  	s3 =	sld [smem:$0x3FFC];
	_ =	sdelay $0x3  }
0x94: {  	_ =	strace s3  }
0x95: {  	s3 =	sld [smem:$0x3FFD];
	_ =	sdelay $0x3  }
0x96: {  	_ =	strace s3  }
0x97: {  	_ =	strace $0x8FFFFFFF  }
0x98: {  	s19 =	sld [smem:$0x3FDB];
	_ =	sdelay $0x1  }
0x99: {  	s4 =	simm.s32 $_scs_section_size  }
0x9a: {  	s5 =	simm.s32 $_size__tile_overlayer_lowered;
	s6 =	simm.s32 $_tile_overlayer_lowered  }
0x9b: {  	s22 =	simm.s32 $0x1BFF;
	s21 =	sshll.u32 s6, $0x1;
	s3 =	sadd.s32 s4, s19  }
0x9c: {  	s7 =	simm.s32 $0x0;
	s20 =	sshll.u32 s5, $0x1;
	s5 =	sadd.s32 s21, s3  }
0x9d: {  	[timem:s7], [sflag:s22] =	dma.local [hbm:s5], s20  }
0x9e: {  	_ =	swait.ge [sflag:s22], s20  }
0x9f: {  	s4 =	ssub.s32 $0x0, s20;
	[sflag:s22] =	ssyncset.done $0x0  }
0xa0: {  	[sflag:s22] =	ssyncadd.s32 s4;
	_ =	sdelay $0x1  }
0xa1: {  	s23 =	simm.s32 $0x1B8B  }
0xa2: {  	_ =	swait.ge [sflag:s23], $0x1  }
0xa3: {  	[sflag:s23] =	ssyncset.done $0x0  }
0xa4: {  	s25 =	simm.s32 $0x1B8E;
	s24 =	sld [smem:$0x3FFE];
	[sflag:s23] =	ssyncadd.s32 $0xFFFFFFFF  }
0xa5: {  	s26 =	simm.s32 $execute0_lowered;
	[smem:$0x3FD2] =	sst s25  }
0xa6: {  	s5 =	sshll.u32 s26, $0x1;
	_ =	strace $0x80000046;
	[dreg:$0x1] =	wrdreg $0xFFFFFFFF  }
0xa7: {  	s28 =	simm.s32 $_size_execute0_lowered;
	s3 =	sadd.s32 s3, s5;
	[dreg:$0x0] =	wrdreg $0x0  }
0xa8: {  	s5 =	sshll.u32 s28, $0x1;
	[dreg:$0x2] =	wrdreg s3  }
0xa9: {  	[dreg:$0x3] =	wrdreg s5  }
0xaa: {  	[dreg:$0x4] =	wrdreg $0xC0  }
0xab: {  	_ =	task [dreg:s7], $0x5FFFF  }
0xac: {  	[dreg:$0x1] =	wrdreg $0xFFFFFFFF  }
0xad: {  	[dreg:$0x0] =	wrdreg $0x60  }
0xae: {  	[dreg:$0x2] =	wrdreg s24  }
0xaf: {  	[dreg:$0x3] =	wrdreg s2  }
0xb0: {  	[dreg:$0x4] =	wrdreg $0xA  }
0xb1: {  	_ =	task.clear_ibuf [dreg:s7], $0x5FFFF;
	_ =	strace $0x90000046  }
0xb2: {  	s29 =	simm.s32 $0xA;
	_ =	strace $0x80000048  }
0xb3: {  	_ =	swait.ge [sflag:s29], $0x1  }
0xb4: {  	[sflag:s29] =	ssyncadd.s32 $0xFFFFFFFF  }
0xb5: {  	_ =	strace $0x90000048  }
0xb6: {  	_ =	sfence  }
0xb7: {  	s30 =	sld [smem:$0x0];
	_ =	sdelay $0x2  }
0xb8: {  	s31 =	sshll.u32 s1, $0xD;
	s1 =	sshrl.u32 s1, $0x2  }
0xb9: {  	s3 =	sand.u32 $0x4000, s31;
	s1 =	sadd.s32 s1, s30  }
0xba: {  	s0 =	sor.u32 s3, s0;
	s1 =	sshll.u32 s1, $0x11  }
0xbb: {  	s0 =	sor.u32 s1, s0  }
0xbc: {  	s0 =	sadd.s32 $0x8F2B, s0  }
0xbd: {  	[sflag:s0] =	ssyncadd.remote.s32 $0x1  }
0xbe: {  	_ =	sfence.sel $0xFFFF  }
0xbf: {  	[dreg:$0x0] =	wrdreg $0xFFFFFFFF;
	(pc) =	sbr.abs _section_cstart, $3  }
0xc0: {  	[dreg:$0x1] =	wrdreg $0xFFFFFFFF  }
0xc1: {  	_ =	task.clear_ibuf [dreg:s7], $0x2FFFF;
	_ =	strace $0x9FFFFFFF  }
0xc2: {  	(tm) =	ssettm $0x7FFFFFFF  }
0xc3: {  	_ =	shalt  }
tec
execute0_lowered:
.L_overlay_start_1:
0x0: {  	(tag) =	ssettag $0x1  }
0x1: {  	s0 =	srdreg.scid  }
0x2: {  	s1 =	sshll.u32 s0, $0x4  }
0x3: {  	s0 =	stileid.u32;
	s1 =	sand.u32 $0x10, s1  }
0x4: {  	s9 =	rddreg [dreg:$0x0];
	s1 =	sor.u32 s0, s1  }
0x5: {  	s3 =	rddreg [dreg:$0x1];
	s2 =	smin.u32 s1, $0x8  }
0x6: {  	p0 =	slt.u32 s1, $0x8;
	s2 =	sadd.s32 s1, s2;
	s1 =	simm.s32 $0x80  }
0x7: {  	s6 =	simm.s32 $0x1;
	s2 =	sshll.u32 s2, $0x6;
	s1 =	simm.s32 @!p0 $0x40  }
0x8: {  	s7 =	simm.s32 $0x2;
	s10 =	simm.s32 $0x3;
	s4 =	sadd.s32 s1, s2  }
0x9: {  	s13 =	simm.s32 $0x0;
	s12 =	simm.s32 $0x0;
	s4 =	smin.u32 s4, $0xA00  }
.Ltmp0:
0xa: {  	s5 =	sadd.s32 $0x2E00, s9;
	s8 =	ssub.s32 s4, s2;
	(pc) =	sbr.rel .LBB2_1-.Ltmp0, $4  }
0xb: {  	s1 =	rddreg [dreg:$0x2];
	_ =	strace $0x80000047;
	p0 =	sgt.s32 s8, $0x0  }
0xc: {  	s9 =	sadd.s32 $0x16A00, s9;
	[sflag:s6] =	ssyncpa.u1 $0x0;
	s8 =	simm.s32 @!p0 $0x0  }
0xd: {  	s11 =	smov.u32 s2;
	[sflag:s7] =	ssyncpa.u1 $0x0;
	s8 =	sshrl.u32 s8, $0x6  }
0xe: {  	vm0 =	vmmov $0xff;
	vm1 =	vcmask $0x3F20;
	[sflag:s10] =	ssyncpa.u1 $0x0;
	p0 =	por $0x0, $0x0;
	s10 =	sadd.s32 $0x1, s8  }
.LBB2_6:
0xf: {  	[hbm:s17] =	stream.linear.scatter [tilespmem:s14], [sflag:$0x3], $0x400, $0x38;
	[tilespmem:$0x4080] =	vst v63  }
.LBB2_7:
0x10: {  	s13 =	sadd.s32 $0x40, s11  }
0x11: {  	s15 =	smov.u32 s2;
	p2 =	slt.s32 s13, s4  }
0x12: {  	s15 =	smov.u32 @p2 s13;
	p2 =	sne.s32 s12, s10  }
.Ltmp1:
0x13: {  	p1 =	slt.u32 s12, $0x2;
	(pc) =	sbr.rel @!p2 .LBB2_8-.Ltmp1, $4  }
0x14: {  	s14 =	simm.s32 @!p1 $0x3  }
0x15: {  	s16 =	sadd.s32 $0x1, s12;
	_ =	swait.ge @!p1 [sflag:s14], $0x2000  }
0x16: {  	p0 =	por !p0, !p0;
	s13 =	smov.u32 s11;
	[sflag:s14] =	ssyncset.done @!p1 $0x0  }
0x17: {  	s12 =	smov.u32 s16;
	s11 =	smov.u32 s15;
	[sflag:s14] =	ssyncadd.s32 @!p1 $0xFFFFE000  }
.LBB2_1:
0x18: {  	p1 =	sge.u32 s12, s8  }
0x19: {  	s14 =	sxor.u32 @!p1 $0xFFFFFFFF, s12  }
0x1a: {  	s31 =	sadd.s32 $0xFFFFFFFF, s12;
	s15 =	sshrl.u32 @!p1 s11, $0x3;
	s14 =	sshll.u32 @!p1 s14, $0x6  }
0x1b: {  	s16 =	sand.u32 @!p1 $0x7, s11;
	s15 =	sadd.s32 @!p1 s3, s15;
	s14 =	sand.u32 @!p1 $0x40, s14  }
0x1c: {  	[tilespmem:s14], [sflag:$0x2] =	stream.linear.gather @!p1 [hbm4b:s15+s16], $0x40, $0x38;
	[tilespmem:$0x4080] =	vst v63  }
0x1d: {  	p1 =	sge.u32 s31, s8  }
.Ltmp2:
0x1e: {  	_ = 	snop;
	(pc) =	sbr.rel @p1 .LBB2_7-.Ltmp2, $1  }
0x1f: {  	_ =	sdelay $0x3  }
0x20: {  	s14 =	simm.s32 $0x1  }
0x21: {  	_ =	swait.ge [sflag:s7], $0x40;
	s14 =	simm.s32 @!p0 $0x0  }
0x22: {  	[sflag:s7] =	ssyncset.done $0x0;
	s16 =	sshll.u32 s14, $0x6  }
0x23: {  	[sflag:s7] =	ssyncadd.s32 $0xFFFFFFC0;
	s15 =	sadd.s32 $0x0, s16  }
0x24: {  	v0 =	vld.msk [tilespmem:s15+$0x0 ss:$0x1], $0xffff;
	_ =	sdelay $0x4  }
0x25: {  	vm2 =	vgt.s32 v0, $0x0  }
0x26: {  	v0 =	vnsel vm2, $0x0, v0  }
0x27: {  	v0 =	vmin.u32 v0, $0x9C3  }
0x28: {  	v0 =	vshll.u32 v0, $0x4;
	_ =	sdelay $0x2  }
0x29: {  	s14 =	sshll.u32 s14, $0xD  }
0x2a: {  	s14 =	sor.u32 $0x80, s14  }
0x2b: {  	[tilespmem:s14], [sflag:$0x1] =	stream.indirect_vreg.gather [hbm:s5], $0x80, v0, vm0, $0x38;
	[tilespmem:$0x4080] =	vst v63  }
0x2c: {  	s17 =	sadd.s32 $0x10, s16;
	s15 =	sadd.s32 $0x400, s14  }
0x2d: {  	[tilespmem:s15], [sflag:$0x1] =	stream.indirect_vreg.gather [hbm:s5], $0x80, v0, vm1, $0x38;
	[tilespmem:$0x4080] =	vst v63  }
0x2e: {  	s18 =	simm.s32 $0x80;
	v0 =	vld.msk [tilespmem:s17+$0x0 ss:$0x1], $0xffff;
	s17 =	smov.u32 s14  }
.LBB2_3:
0x2f: {  	p1 =	sne.s32 s18, $0xC0;
	_ =	sdelay $0x4  }
0x30: {  	vm2 =	vgt.s32 v0, $0x0  }
0x31: {  	v0 =	vnsel vm2, $0x0, v0  }
0x32: {  	v0 =	vmin.u32 v0, $0x9C3  }
0x33: {  	v0 =	vshll.u32 v0, $0x4;
	_ =	sdelay $0x3  }
.Ltmp3:
0x34: {  	s19 =	sshra.s32 s18, $0x2;
	s17 =	sadd.s32 $0x800, s17;
	(pc) =	sbr.rel @p1 .LBB2_3-.Ltmp3, $4  }
0x35: {  	[tilespmem:s17], [sflag:$0x1] =	stream.indirect_vreg.gather [hbm:s5], $0x80, v0, vm0, $0x38;
	[tilespmem:$0x4080] =	vst v63  }
0x36: {  	s19 =	sadd.s32 s19, s16;
	s20 =	sadd.s32 $0x400, s17  }
0x37: {  	[tilespmem:s20], [sflag:$0x1] =	stream.indirect_vreg.gather [hbm:s5], $0x80, v0, vm1, $0x38;
	[tilespmem:$0x4080] =	vst v63  }
0x38: {  	s18 =	sadd.s32 $0x40, s18;
	v0 =	vld.msk [tilespmem:s19+$0x0 ss:$0x1], $0xffff  }
0x39: {  	_ =	sdelay $0x3  }
0x3a: {  	vm2 =	vgt.s32 v0, $0x0  }
0x3b: {  	v0 =	vnsel vm2, $0x0, v0  }
0x3c: {  	v0 =	vmin.u32 v0, $0x9C3  }
0x3d: {  	v0 =	vshll.u32 v0, $0x4;
	_ =	sdelay $0x3  }
0x3e: {  	s16 =	sadd.s32 $0x800, s17  }
0x3f: {  	[tilespmem:s16], [sflag:$0x1] =	stream.indirect_vreg.gather [hbm:s5], $0x80, v0, vm0, $0x38;
	[tilespmem:$0x4080] =	vst v63  }
0x40: {  	s16 =	sadd.s32 $0x400, s16  }
0x41: {  	[tilespmem:s16], [sflag:$0x1] =	stream.indirect_vreg.gather [hbm:s5], $0x80, v0, vm1, $0x38;
	[tilespmem:$0x4080] =	vst v63  }
0x42: {  	s13 =	sshll.u32 s13, $0x4;
	_ =	swait.ge [sflag:s6], $0x2000  }
0x43: {  	s13 =	sadd.s32 s13, s9;
	[sflag:s6] =	ssyncset.done $0x0  }
0x44: {  	s17 =	sadd.s32 $0x0, s13;
	s16 =	simm.s32 $0x80;
	[sflag:s6] =	ssyncadd.s32 $0xFFFFE000  }
.LBB2_5:
0x45: {  	[hbm:s17] =	stream.linear.scatter [tilespmem:s14], [sflag:$0x3], $0x400, $0x38;
	[tilespmem:$0x4080] =	vst v63  }
0x46: {  	s17 =	smov.u32 s16;
	s14 =	smov.u32 s15;
	p1 =	sne.s32 s16, $0x380  }
.Ltmp4:
0x47: {  	s16 =	sadd.s32 $0x80, s16;
	(pc) =	sbr.rel @p1 .LBB2_5-.Ltmp4, $2  }
0x48: {  	_ =	sdelay $0x2  }
0x49: {  	s15 =	sadd.s32 $0x400, s15;
	s17 =	sadd.s32 s17, s13  }
.Ltmp5:
0x4a: {  	_ = 	snop;
	(pc) =	sbr.rel .LBB2_6-.Ltmp5, $1  }
0x4b: {  	_ =	sdelay $0x3  }
.LBB2_8:
0x4c: {  	_ =	sfence.sel $0x180000  }
0x4d: {  	s2 =	simm.s32 $0x2;
	[bflag:$0x0] =	sbarrier.arrive $0xFFFF  }
0x4e: {  	s30 =	simm.s32 $0x3;
	[sflag:s2] =	ssyncpa.u1 $0x1  }
0x4f: {  	s31 =	simm.s32 $0x1;
	[sflag:s30] =	ssyncpa.u1 $0x1  }
0x50: {  	[sflag:s31] =	ssyncpa.u1 $0x1  }
0x51: {  	p0 =	sne.s32 s0, $0x0;
	_ =	strace $0x90000047  }
0x52: {  	s0 =	sadd.s32 @!p0 $0x100000, s1;
	[bflag:$0x2] =	sbarrier.arrive $0xFFFF  }
0x53: {  	[sflag:s0] =	ssyncadd.tile.s32 @!p0 $0x1;
	_ =	shalt  }
.Lfunc_end2:
_tile_overlayer_lowered:
.L_overlay_start_2:
0x54: {  	(tag) =	ssettag $0x2  }
0x55: {  	s0 =	rddreg [dreg:$0x0];
	s2 =	stileid.u32  }
0x56: {  	s1 =	rddreg [dreg:$0x1];
	p0 =	sne.s32 s2, $0x0  }
0x57: {  	s3 =	rddreg [dreg:$0x2];
	[bflag:$0x3] =	sbarrier.arrive $0xFFFF;
	s2 =	simm.s32 @!p0 $0x1C01  }
0x58: {  	[timem:s3], [sflag:s2] =	dma.local @!p0 [hbm:s0], s1  }
0x59: {  	s0 =	simm.s32 @!p0 $0x1  }
0x5a: {  	_ =	swait.ge @!p0 [sflag:s0], s1  }
0x5b: {  	s1 =	ssub.s32 @!p0 $0x0, s1;
	[sflag:s0] =	ssyncset.done @!p0 $0x0  }
0x5c: {  	[sflag:s0] =	ssyncadd.s32 @!p0 s1  }
0x5d: {  	[bflag:$0x3] =	sbarrier.arrive $0xFFFF  }
0x5e: {  	_ =	shalt  }

// kernel: gather_offload_async_start
scs
__scs_entry_jumppad:
0x0: {  	(pc) =	sbr.rel $0x88, $3  }
0x1: {  	(tag) =	ssettag $0x0;
	lr =	simm.s32 $0x1  }
0x2: {  	[smem:$0x3F97] =	sst lr;
	_ =	strace $0xD0000000  }
0x3: {  	_ = 	snop  }
0x4: {  	_ = 	snop  }
0x5: {  	_ = 	snop  }
0x6: {  	_ = 	snop  }
0x7: {  	_ = 	snop  }
__scs_overlays_trampoline_lowered:
0x8: {  	[smem:$0x3FA6] =	sst s0  }
0x9: {  	[smem:$0x3FA7] =	sst s1  }
0xa: {  	[smem:$0x3FA8] =	sst s2  }
0xb: {  	[smem:$0x3FA9] =	sst s3  }
0xc: {  	[smem:$0x3FAA] =	sst s4  }
0xd: {  	[smem:$0x3FAB] =	sst s5  }
0xe: {  	[smem:$0x3FAC] =	sst s6  }
0xf: {  	[smem:$0x3FAD] =	sst s7  }
0x10: {  	[smem:$0x3FAE] =	sst s8  }
0x11: {  	[smem:$0x3FAF] =	sst s9;
	s0 =	simm.s32 @!p0 $0x0  }
0x12: {  	s1 =	sld [smem:$0x3F95];
	s0 =	simm.s32 @p0 $0x1  }
0x13: {  	[smem:$0x3FB0] =	sst s0;
	s0 =	simm.s32 @!p1 $0x0  }
0x14: {  	s2 =	sld [smem:$0x3F94];
	s0 =	simm.s32 @p1 $0x1  }
0x15: {  	[smem:$0x3FB1] =	sst s0;
	s0 =	simm.s32 @!p2 $0x0  }
0x16: {  	s3 =	sld [smem:$0x3FDB];
	s0 =	simm.s32 @p2 $0x1  }
0x17: {  	s4 =	simm.s32 $0x1BF5;
	[smem:$0x3FB3] =	sst s0  }
0x18: {  	s0 =	sld [smem:$0x3F96];
	_ =	swait.ge [sflag:s4], $0x0  }
0x19: {  	s7 =	sld [smem:$0x3F97]  }
0x1a: {  	s8 =	sadd.s32 $0xFFFFE003, lr  }
0x1b: {  	s9 =	sadd.s32 $0xFFFFFEF7, lr;
	s5 =	simm.s32 $0xFFFFFFFF;
	p2 =	slt.u32 s8, $0xFFFFF086  }
0x1c: {  	p1 =	slt.u32 s9, $0xF7A;
	s5 =	simm.s32 @!p2 $0x0  }
0x1d: {  	s5 =	simm.s32 @p1 $0x1;
	p0 =	seq.s32 s7, s2  }
0x1e: {  	s7 =	smul.u32 @!p0 $0xF7A, s2;
	p2 =	seq.s32 @!p0 s5, $0x0  }
0x1f: {  	s9 =	smul.u32 $0xF7A, s1;
	s8 =	simm.s32 @!p0 $0x1BF5;
	p2 =	por !p2, p0  }
0x20: {  	[sflag:s8] =	ssyncset.s32 @!p0 $0xFFFFF086;
	s6 =	sadd.s32 @!p0 s3, s7;
	s7 =	simm.s32 @!p0 $0x108  }
0x21: {  	s3 =	sadd.s32 s3, s9;
	s6 =	sadd.s32 @!p0 $0x88, s6;
	s7 =	simm.s32 @p2 $0x1082  }
0x22: {  	[simem:s7], [sflag:s8] =	dma.local @!p0 [hbm:s6], $0xF7A  }
0x23: {  	s9 =	sor.u32 $0xD0000000, s2;
	s6 =	simm.s32 $0x108;
	_ =	swait.ge @!p0 [sflag:s8], $0x0  }
0x24: {  	s3 =	sadd.s32 $0x88, s3;
	s6 =	simm.s32 @!p1 $0x1082;
	[sflag:s4] =	ssyncset.s32 $0xFFFFF086  }
0x25: {  	[simem:s6], [sflag:s4] =	dma.local [hbm:s3], $0xF7A  }
0x26: {  	[smem:$0x3F97] =	sst s1;
	(tag) =	ssettag s2;
	_ =	strace s9  }
0x27: {  	s1 =	sld [smem:$0x3FA7]  }
0x28: {  	s2 =	sld [smem:$0x3FA8]  }
0x29: {  	s4 =	sld [smem:$0x3FAA]  }
0x2a: {  	p0 =	seq.s32 s5, $0x0;
	s5 =	sld [smem:$0x3FAB]  }
0x2b: {  	s6 =	sld [smem:$0x3FAC]  }
0x2c: {  	s7 =	sld [smem:$0x3FAD]  }
0x2d: {  	s3 =	simm.s32 $0x108;
	s8 =	sld [smem:$0x3FAE]  }
0x2e: {  	s3 =	simm.s32 @!p0 $0x1082;
	s9 =	sld [smem:$0x3FAF]  }
0x2f: {  	lr =	sadd.s32 s0, s3;
	s0 =	sld [smem:$0x3FA6]  }
0x30: {  	s3 =	sld [smem:$0x3FA9]  }
0x31: {  	[smem:$0x3FB2] =	sst s10  }
0x32: {  	s10 =	sld [smem:$0x3FB0];
	_ =	sdelay $0x3  }
0x33: {  	p0 =	seq.s32 s10, $0x1;
	s10 =	sld [smem:$0x3FB2];
	_ =	sdelay $0x3  }
0x34: {  	[smem:$0x3FB2] =	sst s10  }
0x35: {  	s10 =	sld [smem:$0x3FB1];
	_ =	sdelay $0x3  }
0x36: {  	p1 =	seq.s32 s10, $0x1;
	s10 =	sld [smem:$0x3FB2];
	_ =	sdelay $0x3  }
0x37: {  	[smem:$0x3FB2] =	sst s10  }
0x38: {  	s10 =	sld [smem:$0x3FB3]  }
0x39: {  	_ = 	snop;
	(pc) =	sbr.ind lr, $3  }
0x3a: {  	_ = 	snop  }
0x3b: {  	_ = 	snop  }
0x3c: {  	p2 =	seq.s32 s10, $0x1;
	s10 =	sld [smem:$0x3FB2]  }
0x3d: {  	_ =	shalt  }
0x3e: {  	_ =	shalt  }
0x3f: {  	_ =	shalt  }
0x40: {  	_ =	shalt  }
0x41: {  	_ =	shalt  }
0x42: {  	_ =	shalt  }
0x43: {  	_ =	shalt  }
0x44: {  	_ =	shalt  }
0x45: {  	_ =	shalt  }
0x46: {  	_ =	shalt  }
0x47: {  	_ =	shalt  }
0x48: {  	_ =	shalt  }
0x49: {  	_ =	shalt  }
0x4a: {  	_ =	shalt  }
0x4b: {  	_ =	shalt  }
0x4c: {  	_ =	shalt  }
0x4d: {  	_ =	shalt  }
0x4e: {  	_ =	shalt  }
0x4f: {  	_ =	shalt  }
0x50: {  	_ =	shalt  }
0x51: {  	_ =	shalt  }
0x52: {  	_ =	shalt  }
0x53: {  	_ =	shalt  }
0x54: {  	_ =	shalt  }
0x55: {  	_ =	shalt  }
0x56: {  	_ =	shalt  }
0x57: {  	_ =	shalt  }
0x58: {  	_ =	shalt  }
0x59: {  	_ =	shalt  }
0x5a: {  	_ =	shalt  }
0x5b: {  	_ =	shalt  }
0x5c: {  	_ =	shalt  }
0x5d: {  	_ =	shalt  }
0x5e: {  	_ =	shalt  }
0x5f: {  	_ =	shalt  }
0x60: {  	_ =	shalt  }
0x61: {  	_ =	shalt  }
0x62: {  	_ =	shalt  }
0x63: {  	_ =	shalt  }
0x64: {  	_ =	shalt  }
0x65: {  	_ =	shalt  }
0x66: {  	_ =	shalt  }
0x67: {  	_ =	shalt  }
0x68: {  	_ =	shalt  }
0x69: {  	_ =	shalt  }
0x6a: {  	_ =	shalt  }
0x6b: {  	_ =	shalt  }
0x6c: {  	_ =	shalt  }
0x6d: {  	_ =	shalt  }
0x6e: {  	_ =	shalt  }
0x6f: {  	_ =	shalt  }
0x70: {  	_ =	shalt  }
0x71: {  	_ =	shalt  }
0x72: {  	_ =	shalt  }
0x73: {  	_ =	shalt  }
0x74: {  	_ =	shalt  }
0x75: {  	_ =	shalt  }
0x76: {  	_ =	shalt  }
0x77: {  	_ =	shalt  }
0x78: {  	_ =	shalt  }
0x79: {  	_ =	shalt  }
0x7a: {  	_ =	shalt  }
0x7b: {  	_ =	shalt  }
0x7c: {  	_ =	shalt  }
0x7d: {  	_ =	shalt  }
0x7e: {  	_ =	shalt  }
0x7f: {  	_ =	shalt  }
0x80: {  	_ =	shalt  }
0x81: {  	_ =	shalt  }
0x82: {  	_ =	shalt  }
0x83: {  	_ =	shalt  }
0x84: {  	_ =	shalt  }
0x85: {  	_ =	shalt  }
0x86: {  	_ =	shalt  }
0x87: {  	_ =	shalt  }
.Lfunc_end0:
.L_simem_size_0:
called_computation_lowered:
.L_overlay_start_0:
0x88: {  	s2 =	sld [smem:$0x3FD9]  }
0x89: {  	s3 =	sld [smem:$0x3FFE];
	_ =	sdelay $0x1  }
0x8a: {  	s1 =	srdreg.scid  }
0x8b: {  	s0 =	sand.u32 $0x1, s1  }
0x8c: {  	s17 =	sshll.u32 s0, $0xA;
	s2 =	sadd.s32 s3, s2  }
0x8d: {  	s2 =	sadd.s32 s2, s17  }
0x8e: {  	[smem:$0x3FBE] =	sst s2  }
0x8f: {  	_ = 	snop  }
0x90: {  	s18 =	sld [smem:$0x3FD0];
	(tm) =	ssettm $0x1  }
0x91: {  	s19 =	sld [smem:$0x3FFB];
	_ =	sdelay $0x3  }
0x92: {  	_ =	strace s19  }
0x93: {  	s2 =	sld [smem:$0x3FFC];
	_ =	sdelay $0x3  }
0x94: {  	_ =	strace s2  }
0x95: {  	s2 =	sld [smem:$0x3FFD];
	_ =	sdelay $0x3  }
0x96: {  	_ =	strace s2  }
0x97: {  	_ =	strace $0x8FFFFFFF  }
0x98: {  	s20 =	sld [smem:$0x3FDB];
	_ =	sdelay $0x1  }
0x99: {  	s4 =	simm.s32 $_scs_section_size  }
0x9a: {  	s5 =	simm.s32 $_size__tile_overlayer_lowered;
	s6 =	simm.s32 $_tile_overlayer_lowered  }
0x9b: {  	s7 =	simm.s32 $0x1BFF;
	s21 =	sshll.u32 s6, $0x1;
	s4 =	sadd.s32 s4, s20  }
0x9c: {  	s22 =	simm.s32 $0x0;
	s5 =	sshll.u32 s5, $0x1;
	s6 =	sadd.s32 s21, s4  }
0x9d: {  	[timem:s22], [sflag:s7] =	dma.local [hbm:s6], s5  }
0x9e: {  	_ =	swait.ge [sflag:s7], s5  }
0x9f: {  	s5 =	ssub.s32 $0x0, s5;
	[sflag:s7] =	ssyncset.done $0x0  }
0xa0: {  	[sflag:s7] =	ssyncadd.s32 s5;
	_ =	sdelay $0x1  }
0xa1: {  	s23 =	simm.s32 $0x1B8B  }
0xa2: {  	_ =	swait.ge [sflag:s23], $0x1  }
0xa3: {  	[sflag:s23] =	ssyncset.done $0x0  }
0xa4: {  	[sflag:s23] =	ssyncadd.s32 $0xFFFFFFFF  }
0xa5: {  	s5 =	sld [smem:$0x0]  }
0xa6: {  	s6 =	sand.u32 $0xFFFFFFFE, s1  }
0xa7: {  	p0 =	sne.s32 s1, s6  }
0xa8: {  	s6 =	sshll.u32 @p0 s6, $0xE  }
0xa9: {  	s6 =	sadd.s32 @p0 $0x11B8D, s6;
	s7 =	sshll.u32 @p0 s5, $0x11  }
0xaa: {  	s6 =	sor.u32 @p0 s7, s6  }
0xab: {  	[sflag:s6] =	ssyncadd.remote.s32 @p0 $0x1;
	_ =	sdelay $0x1  }
0xac: {  	s6 =	simm.s32 @p0 $0x1B8D  }
0xad: {  	_ =	swait.eq @p0 [sflag:s6], $0x1  }
0xae: {  	[sflag:s6] =	ssyncadd.s32 @p0 $0xFFFFFFFF  }
0xaf: {  	s7 =	sshll.u32 @!p0 s1, $0xE  }
0xb0: {  	s7 =	sor.u32 @!p0 $0x4000, s7;
	s6 =	simm.s32 @!p0 $0x1B8D  }
0xb1: {  	s5 =	sshll.u32 @!p0 s5, $0x11;
	s7 =	sadd.s32 @!p0 $0x11B8D, s7;
	_ =	swait.eq @!p0 [sflag:s6], $0x1  }
0xb2: {  	s5 =	sor.u32 @!p0 s5, s7;
	[sflag:s6] =	ssyncadd.s32 @!p0 $0xFFFFFFFF  }
0xb3: {  	s25 =	simm.s32 $0x1B8E;
	s24 =	sld [smem:$0x3FFE];
	[sflag:s5] =	ssyncadd.remote.s32 @!p0 $0x1  }
0xb4: {  	s26 =	simm.s32 $execute0_lowered;
	[smem:$0x3FD2] =	sst s25  }
0xb5: {  	s6 =	sshll.u32 s26, $0x1;
	_ =	strace $0x80000049;
	[dreg:$0x1] =	wrdreg $0xFFFFFFFF  }
0xb6: {  	s28 =	simm.s32 $_size_execute0_lowered;
	s4 =	sadd.s32 s4, s6;
	[dreg:$0x0] =	wrdreg $0x0  }
0xb7: {  	s6 =	sshll.u32 s28, $0x1;
	[dreg:$0x2] =	wrdreg s4  }
0xb8: {  	[dreg:$0x3] =	wrdreg s6  }
0xb9: {  	[dreg:$0x4] =	wrdreg $0xC0  }
0xba: {  	_ =	task [dreg:s22], $0x5FFFF  }
0xbb: {  	[dreg:$0x1] =	wrdreg $0xFFFFFFFF  }
0xbc: {  	[dreg:$0x0] =	wrdreg $0x60  }
0xbd: {  	[dreg:$0x2] =	wrdreg s24  }
0xbe: {  	[dreg:$0x3] =	wrdreg s18  }
0xbf: {  	[dreg:$0x4] =	wrdreg $0x9  }
0xc0: {  	_ =	task.clear_ibuf [dreg:s22], $0x5FFFF;
	_ =	strace $0x90000049  }
0xc1: {  	s29 =	simm.s32 $0x9;
	_ =	strace $0x8000004B  }
0xc2: {  	_ =	swait.ge [sflag:s29], $0x1  }
0xc3: {  	[sflag:s29] =	ssyncadd.s32 $0xFFFFFFFF  }
0xc4: {  	_ =	strace $0x9000004B  }
0xc5: {  	_ =	sfence  }
0xc6: {  	s30 =	sld [smem:$0x0];
	_ =	sdelay $0x2  }
0xc7: {  	s31 =	sshll.u32 s1, $0xD;
	s1 =	sshrl.u32 s1, $0x2  }
0xc8: {  	s4 =	sand.u32 $0x4000, s31;
	s1 =	sadd.s32 s1, s30  }
0xc9: {  	s0 =	sor.u32 s4, s0;
	s1 =	sshll.u32 s1, $0x11  }
0xca: {  	s0 =	sor.u32 s1, s0  }
0xcb: {  	s0 =	sadd.s32 $0x8F2B, s0  }
0xcc: {  	[sflag:s0] =	ssyncadd.remote.s32 $0x1  }
0xcd: {  	_ =	sfence.sel $0xFFFF  }
0xce: {  	[dreg:$0x0] =	wrdreg $0xFFFFFFFF;
	(pc) =	sbr.abs _section_cstart, $3  }
0xcf: {  	[dreg:$0x1] =	wrdreg $0xFFFFFFFF  }
0xd0: {  	_ =	task.clear_ibuf [dreg:s22], $0x2FFFF;
	_ =	strace $0x9FFFFFFF  }
0xd1: {  	(tm) =	ssettm $0x7FFFFFFF  }
tec
execute0_lowered:
.L_overlay_start_1:
0x0: {  	(tag) =	ssettag $0x1  }
0x1: {  	s0 =	srdreg.scid  }
0x2: {  	s1 =	sshll.u32 s0, $0x4  }
0x3: {  	s0 =	stileid.u32;
	s1 =	sand.u32 $0x10, s1  }
0x4: {  	s9 =	rddreg [dreg:$0x0];
	s1 =	sor.u32 s0, s1  }
0x5: {  	s3 =	rddreg [dreg:$0x1];
	s2 =	smin.u32 s1, $0x8  }
0x6: {  	p0 =	slt.u32 s1, $0x8;
	s2 =	sadd.s32 s1, s2;
	s1 =	simm.s32 $0x80  }
0x7: {  	s6 =	simm.s32 $0x1;
	s2 =	sshll.u32 s2, $0x6;
	s1 =	simm.s32 @!p0 $0x40  }
0x8: {  	s7 =	simm.s32 $0x2;
	s10 =	simm.s32 $0x3;
	s4 =	sadd.s32 s1, s2  }
0x9: {  	s13 =	simm.s32 $0x0;
	s12 =	simm.s32 $0x0;
	s4 =	smin.u32 s4, $0xA00  }
.Ltmp0:
0xa: {  	s5 =	sadd.s32 $0xCC00, s9;
	s8 =	ssub.s32 s4, s2;
	(pc) =	sbr.rel .LBB2_1-.Ltmp0, $4  }
0xb: {  	s1 =	rddreg [dreg:$0x2];
	_ =	strace $0x8000004A;
	p0 =	sgt.s32 s8, $0x0  }
0xc: {  	s9 =	sadd.s32 $0x20A00, s9;
	[sflag:s6] =	ssyncpa.u1 $0x0;
	s8 =	simm.s32 @!p0 $0x0  }
0xd: {  	s11 =	smov.u32 s2;
	[sflag:s7] =	ssyncpa.u1 $0x0;
	s8 =	sshrl.u32 s8, $0x6  }
0xe: {  	vm0 =	vmmov $0xff;
	vm1 =	vcmask $0x3F20;
	[sflag:s10] =	ssyncpa.u1 $0x0;
	p0 =	por $0x0, $0x0;
	s10 =	sadd.s32 $0x1, s8  }
.LBB2_6:
0xf: {  	[hbm:s17] =	stream.linear.scatter [tilespmem:s14], [sflag:$0x3], $0x400, $0x38;
	[tilespmem:$0x4080] =	vst v63  }
.LBB2_7:
0x10: {  	s13 =	sadd.s32 $0x40, s11  }
0x11: {  	s15 =	smov.u32 s2;
	p2 =	slt.s32 s13, s4  }
0x12: {  	s15 =	smov.u32 @p2 s13;
	p2 =	sne.s32 s12, s10  }
.Ltmp1:
0x13: {  	p1 =	slt.u32 s12, $0x2;
	(pc) =	sbr.rel @!p2 .LBB2_8-.Ltmp1, $4  }
0x14: {  	s14 =	simm.s32 @!p1 $0x3  }
0x15: {  	s16 =	sadd.s32 $0x1, s12;
	_ =	swait.ge @!p1 [sflag:s14], $0x2000  }
0x16: {  	p0 =	por !p0, !p0;
	s13 =	smov.u32 s11;
	[sflag:s14] =	ssyncset.done @!p1 $0x0  }
0x17: {  	s12 =	smov.u32 s16;
	s11 =	smov.u32 s15;
	[sflag:s14] =	ssyncadd.s32 @!p1 $0xFFFFE000  }
.LBB2_1:
0x18: {  	p1 =	sge.u32 s12, s8  }
0x19: {  	s14 =	sxor.u32 @!p1 $0xFFFFFFFF, s12  }
0x1a: {  	s31 =	sadd.s32 $0xFFFFFFFF, s12;
	s15 =	sshrl.u32 @!p1 s11, $0x3;
	s14 =	sshll.u32 @!p1 s14, $0x6  }
0x1b: {  	s16 =	sand.u32 @!p1 $0x7, s11;
	s15 =	sadd.s32 @!p1 s3, s15;
	s14 =	sand.u32 @!p1 $0x40, s14  }
0x1c: {  	[tilespmem:s14], [sflag:$0x2] =	stream.linear.gather @!p1 [hbm4b:s15+s16], $0x40, $0x38;
	[tilespmem:$0x4080] =	vst v63  }
0x1d: {  	p1 =	sge.u32 s31, s8  }
.Ltmp2:
0x1e: {  	_ = 	snop;
	(pc) =	sbr.rel @p1 .LBB2_7-.Ltmp2, $1  }
0x1f: {  	_ =	sdelay $0x3  }
0x20: {  	s14 =	simm.s32 $0x1  }
0x21: {  	_ =	swait.ge [sflag:s7], $0x40;
	s14 =	simm.s32 @!p0 $0x0  }
0x22: {  	[sflag:s7] =	ssyncset.done $0x0;
	s16 =	sshll.u32 s14, $0x6  }
0x23: {  	[sflag:s7] =	ssyncadd.s32 $0xFFFFFFC0;
	s15 =	sadd.s32 $0x0, s16  }
0x24: {  	v0 =	vld.msk [tilespmem:s15+$0x0 ss:$0x1], $0xffff;
	_ =	sdelay $0x4  }
0x25: {  	vm2 =	vgt.s32 v0, $0x0  }
0x26: {  	v0 =	vnsel vm2, $0x0, v0  }
0x27: {  	v0 =	vmin.u32 v0, $0x9C3  }
0x28: {  	v0 =	vshll.u32 v0, $0x4;
	_ =	sdelay $0x2  }
0x29: {  	s14 =	sshll.u32 s14, $0xD  }
0x2a: {  	s14 =	sor.u32 $0x80, s14  }
0x2b: {  	[tilespmem:s14], [sflag:$0x1] =	stream.indirect_vreg.gather [hbm:s5], $0x80, v0, vm0, $0x38;
	[tilespmem:$0x4080] =	vst v63  }
0x2c: {  	s17 =	sadd.s32 $0x10, s16;
	s15 =	sadd.s32 $0x400, s14  }
0x2d: {  	[tilespmem:s15], [sflag:$0x1] =	stream.indirect_vreg.gather [hbm:s5], $0x80, v0, vm1, $0x38;
	[tilespmem:$0x4080] =	vst v63  }
0x2e: {  	s18 =	simm.s32 $0x80;
	v0 =	vld.msk [tilespmem:s17+$0x0 ss:$0x1], $0xffff;
	s17 =	smov.u32 s14  }
.LBB2_3:
0x2f: {  	p1 =	sne.s32 s18, $0xC0;
	_ =	sdelay $0x4  }
0x30: {  	vm2 =	vgt.s32 v0, $0x0  }
0x31: {  	v0 =	vnsel vm2, $0x0, v0  }
0x32: {  	v0 =	vmin.u32 v0, $0x9C3  }
0x33: {  	v0 =	vshll.u32 v0, $0x4;
	_ =	sdelay $0x3  }
.Ltmp3:
0x34: {  	s19 =	sshra.s32 s18, $0x2;
	s17 =	sadd.s32 $0x800, s17;
	(pc) =	sbr.rel @p1 .LBB2_3-.Ltmp3, $4  }
0x35: {  	[tilespmem:s17], [sflag:$0x1] =	stream.indirect_vreg.gather [hbm:s5], $0x80, v0, vm0, $0x38;
	[tilespmem:$0x4080] =	vst v63  }
0x36: {  	s19 =	sadd.s32 s19, s16;
	s20 =	sadd.s32 $0x400, s17  }
0x37: {  	[tilespmem:s20], [sflag:$0x1] =	stream.indirect_vreg.gather [hbm:s5], $0x80, v0, vm1, $0x38;
	[tilespmem:$0x4080] =	vst v63  }
0x38: {  	s18 =	sadd.s32 $0x40, s18;
	v0 =	vld.msk [tilespmem:s19+$0x0 ss:$0x1], $0xffff  }
0x39: {  	_ =	sdelay $0x3  }
0x3a: {  	vm2 =	vgt.s32 v0, $0x0  }
0x3b: {  	v0 =	vnsel vm2, $0x0, v0  }
0x3c: {  	v0 =	vmin.u32 v0, $0x9C3  }
0x3d: {  	v0 =	vshll.u32 v0, $0x4;
	_ =	sdelay $0x3  }
0x3e: {  	s16 =	sadd.s32 $0x800, s17  }
0x3f: {  	[tilespmem:s16], [sflag:$0x1] =	stream.indirect_vreg.gather [hbm:s5], $0x80, v0, vm0, $0x38;
	[tilespmem:$0x4080] =	vst v63  }
0x40: {  	s16 =	sadd.s32 $0x400, s16  }
0x41: {  	[tilespmem:s16], [sflag:$0x1] =	stream.indirect_vreg.gather [hbm:s5], $0x80, v0, vm1, $0x38;
	[tilespmem:$0x4080] =	vst v63  }
0x42: {  	s13 =	sshll.u32 s13, $0x4;
	_ =	swait.ge [sflag:s6], $0x2000  }
0x43: {  	s13 =	sadd.s32 s13, s9;
	[sflag:s6] =	ssyncset.done $0x0  }
0x44: {  	s17 =	sadd.s32 $0x0, s13;
	s16 =	simm.s32 $0x80;
	[sflag:s6] =	ssyncadd.s32 $0xFFFFE000  }
.LBB2_5:
0x45: {  	[hbm:s17] =	stream.linear.scatter [tilespmem:s14], [sflag:$0x3], $0x400, $0x38;
	[tilespmem:$0x4080] =	vst v63  }
0x46: {  	s17 =	smov.u32 s16;
	s14 =	smov.u32 s15;
	p1 =	sne.s32 s16, $0x380  }
.Ltmp4:
0x47: {  	s16 =	sadd.s32 $0x80, s16;
	(pc) =	sbr.rel @p1 .LBB2_5-.Ltmp4, $2  }
0x48: {  	_ =	sdelay $0x2  }
0x49: {  	s15 =	sadd.s32 $0x400, s15;
	s17 =	sadd.s32 s17, s13  }
.Ltmp5:
0x4a: {  	_ = 	snop;
	(pc) =	sbr.rel .LBB2_6-.Ltmp5, $1  }
0x4b: {  	_ =	sdelay $0x3  }
.LBB2_8:
0x4c: {  	_ =	sfence.sel $0x180000  }
0x4d: {  	s2 =	simm.s32 $0x2;
	[bflag:$0x0] =	sbarrier.arrive $0xFFFF  }
0x4e: {  	s30 =	simm.s32 $0x3;
	[sflag:s2] =	ssyncpa.u1 $0x1  }
0x4f: {  	s31 =	simm.s32 $0x1;
	[sflag:s30] =	ssyncpa.u1 $0x1  }
0x50: {  	[sflag:s31] =	ssyncpa.u1 $0x1  }
0x51: {  	p0 =	sne.s32 s0, $0x0;
	_ =	strace $0x9000004A  }
0x52: {  	s0 =	sadd.s32 @!p0 $0x100000, s1;
	[bflag:$0x2] =	sbarrier.arrive $0xFFFF  }
0x53: {  	[sflag:s0] =	ssyncadd.tile.s32 @!p0 $0x1;
	_ =	shalt  }
.Lfunc_end2:
_tile_overlayer_lowered:
.L_overlay_start_2:
0x54: {  	(tag) =	ssettag $0x2  }
0x55: {  	s0 =	rddreg [dreg:$0x0];
	s2 =	stileid.u32  }
0x56: {  	s1 =	rddreg [dreg:$0x1];
	p0 =	sne.s32 s2, $0x0  }
0x57: {  	s3 =	rddreg [dreg:$0x2];
	[bflag:$0x3] =	sbarrier.arrive $0xFFFF;
	s2 =	simm.s32 @!p0 $0x1C01  }
0x58: {  	[timem:s3], [sflag:s2] =	dma.local @!p0 [hbm:s0], s1  }
0x59: {  	s0 =	simm.s32 @!p0 $0x1  }
0x5a: {  	_ =	swait.ge @!p0 [sflag:s0], s1  }
0x5b: {  	s1 =	ssub.s32 @!p0 $0x0, s1;
	[sflag:s0] =	ssyncset.done @!p0 $0x0  }
0x5c: {  	[sflag:s0] =	ssyncadd.s32 @!p0 s1  }
0x5d: {  	[bflag:$0x3] =	sbarrier.arrive $0xFFFF  }
0x5e: {  	_ =	shalt  }

// kernel: kernel.6.cloned.1.call-start
scs
__scs_entry_jumppad:
0x0: {  	(pc) =	sbr.rel $0x88, $3  }
0x1: {  	(tag) =	ssettag $0x0;
	lr =	simm.s32 $0x1  }
0x2: {  	[smem:$0x3F97] =	sst lr;
	_ =	strace $0xD0000000  }
0x3: {  	_ = 	snop  }
0x4: {  	_ = 	snop  }
0x5: {  	_ = 	snop  }
0x6: {  	_ = 	snop  }
0x7: {  	_ = 	snop  }
__scs_overlays_trampoline_lowered:
0x8: {  	[smem:$0x3FA6] =	sst s0  }
0x9: {  	[smem:$0x3FA7] =	sst s1  }
0xa: {  	[smem:$0x3FA8] =	sst s2  }
0xb: {  	[smem:$0x3FA9] =	sst s3  }
0xc: {  	[smem:$0x3FAA] =	sst s4  }
0xd: {  	[smem:$0x3FAB] =	sst s5  }
0xe: {  	[smem:$0x3FAC] =	sst s6  }
0xf: {  	[smem:$0x3FAD] =	sst s7  }
0x10: {  	[smem:$0x3FAE] =	sst s8  }
0x11: {  	[smem:$0x3FAF] =	sst s9;
	s0 =	simm.s32 @!p0 $0x0  }
0x12: {  	s1 =	sld [smem:$0x3F95];
	s0 =	simm.s32 @p0 $0x1  }
0x13: {  	[smem:$0x3FB0] =	sst s0;
	s0 =	simm.s32 @!p1 $0x0  }
0x14: {  	s2 =	sld [smem:$0x3F94];
	s0 =	simm.s32 @p1 $0x1  }
0x15: {  	[smem:$0x3FB1] =	sst s0;
	s0 =	simm.s32 @!p2 $0x0  }
0x16: {  	s3 =	sld [smem:$0x3FDB];
	s0 =	simm.s32 @p2 $0x1  }
0x17: {  	s4 =	simm.s32 $0x1BF5;
	[smem:$0x3FB3] =	sst s0  }
0x18: {  	s0 =	sld [smem:$0x3F96];
	_ =	swait.ge [sflag:s4], $0x0  }
0x19: {  	s7 =	sld [smem:$0x3F97]  }
0x1a: {  	s8 =	sadd.s32 $0xFFFFE003, lr  }
0x1b: {  	s9 =	sadd.s32 $0xFFFFFEF7, lr;
	s5 =	simm.s32 $0xFFFFFFFF;
	p2 =	slt.u32 s8, $0xFFFFF086  }
0x1c: {  	p1 =	slt.u32 s9, $0xF7A;
	s5 =	simm.s32 @!p2 $0x0  }
0x1d: {  	s5 =	simm.s32 @p1 $0x1;
	p0 =	seq.s32 s7, s2  }
0x1e: {  	s7 =	smul.u32 @!p0 $0xF7A, s2;
	p2 =	seq.s32 @!p0 s5, $0x0  }
0x1f: {  	s9 =	smul.u32 $0xF7A, s1;
	s8 =	simm.s32 @!p0 $0x1BF5;
	p2 =	por !p2, p0  }
0x20: {  	[sflag:s8] =	ssyncset.s32 @!p0 $0xFFFFF086;
	s6 =	sadd.s32 @!p0 s3, s7;
	s7 =	simm.s32 @!p0 $0x108  }
0x21: {  	s3 =	sadd.s32 s3, s9;
	s6 =	sadd.s32 @!p0 $0x88, s6;
	s7 =	simm.s32 @p2 $0x1082  }
0x22: {  	[simem:s7], [sflag:s8] =	dma.local @!p0 [hbm:s6], $0xF7A  }
0x23: {  	s9 =	sor.u32 $0xD0000000, s2;
	s6 =	simm.s32 $0x108;
	_ =	swait.ge @!p0 [sflag:s8], $0x0  }
0x24: {  	s3 =	sadd.s32 $0x88, s3;
	s6 =	simm.s32 @!p1 $0x1082;
	[sflag:s4] =	ssyncset.s32 $0xFFFFF086  }
0x25: {  	[simem:s6], [sflag:s4] =	dma.local [hbm:s3], $0xF7A  }
0x26: {  	[smem:$0x3F97] =	sst s1;
	(tag) =	ssettag s2;
	_ =	strace s9  }
0x27: {  	s1 =	sld [smem:$0x3FA7]  }
0x28: {  	s2 =	sld [smem:$0x3FA8]  }
0x29: {  	s4 =	sld [smem:$0x3FAA]  }
0x2a: {  	p0 =	seq.s32 s5, $0x0;
	s5 =	sld [smem:$0x3FAB]  }
0x2b: {  	s6 =	sld [smem:$0x3FAC]  }
0x2c: {  	s7 =	sld [smem:$0x3FAD]  }
0x2d: {  	s3 =	simm.s32 $0x108;
	s8 =	sld [smem:$0x3FAE]  }
0x2e: {  	s3 =	simm.s32 @!p0 $0x1082;
	s9 =	sld [smem:$0x3FAF]  }
0x2f: {  	lr =	sadd.s32 s0, s3;
	s0 =	sld [smem:$0x3FA6]  }
0x30: {  	s3 =	sld [smem:$0x3FA9]  }
0x31: {  	[smem:$0x3FB2] =	sst s10  }
0x32: {  	s10 =	sld [smem:$0x3FB0];
	_ =	sdelay $0x3  }
0x33: {  	p0 =	seq.s32 s10, $0x1;
	s10 =	sld [smem:$0x3FB2];
	_ =	sdelay $0x3  }
0x34: {  	[smem:$0x3FB2] =	sst s10  }
0x35: {  	s10 =	sld [smem:$0x3FB1];
	_ =	sdelay $0x3  }
0x36: {  	p1 =	seq.s32 s10, $0x1;
	s10 =	sld [smem:$0x3FB2];
	_ =	sdelay $0x3  }
0x37: {  	[smem:$0x3FB2] =	sst s10  }
0x38: {  	s10 =	sld [smem:$0x3FB3]  }
0x39: {  	_ = 	snop;
	(pc) =	sbr.ind lr, $3  }
0x3a: {  	_ = 	snop  }
0x3b: {  	_ = 	snop  }
0x3c: {  	p2 =	seq.s32 s10, $0x1;
	s10 =	sld [smem:$0x3FB2]  }
0x3d: {  	_ =	shalt  }
0x3e: {  	_ =	shalt  }
0x3f: {  	_ =	shalt  }
0x40: {  	_ =	shalt  }
0x41: {  	_ =	shalt  }
0x42: {  	_ =	shalt  }
0x43: {  	_ =	shalt  }
0x44: {  	_ =	shalt  }
0x45: {  	_ =	shalt  }
0x46: {  	_ =	shalt  }
0x47: {  	_ =	shalt  }
0x48: {  	_ =	shalt  }
0x49: {  	_ =	shalt  }
0x4a: {  	_ =	shalt  }
0x4b: {  	_ =	shalt  }
0x4c: {  	_ =	shalt  }
0x4d: {  	_ =	shalt  }
0x4e: {  	_ =	shalt  }
0x4f: {  	_ =	shalt  }
0x50: {  	_ =	shalt  }
0x51: {  	_ =	shalt  }
0x52: {  	_ =	shalt  }
0x53: {  	_ =	shalt  }
0x54: {  	_ =	shalt  }
0x55: {  	_ =	shalt  }
0x56: {  	_ =	shalt  }
0x57: {  	_ =	shalt  }
0x58: {  	_ =	shalt  }
0x59: {  	_ =	shalt  }
0x5a: {  	_ =	shalt  }
0x5b: {  	_ =	shalt  }
0x5c: {  	_ =	shalt  }
0x5d: {  	_ =	shalt  }
0x5e: {  	_ =	shalt  }
0x5f: {  	_ =	shalt  }
0x60: {  	_ =	shalt  }
0x61: {  	_ =	shalt  }
0x62: {  	_ =	shalt  }
0x63: {  	_ =	shalt  }
0x64: {  	_ =	shalt  }
0x65: {  	_ =	shalt  }
0x66: {  	_ =	shalt  }
0x67: {  	_ =	shalt  }
0x68: {  	_ =	shalt  }
0x69: {  	_ =	shalt  }
0x6a: {  	_ =	shalt  }
0x6b: {  	_ =	shalt  }
0x6c: {  	_ =	shalt  }
0x6d: {  	_ =	shalt  }
0x6e: {  	_ =	shalt  }
0x6f: {  	_ =	shalt  }
0x70: {  	_ =	shalt  }
0x71: {  	_ =	shalt  }
0x72: {  	_ =	shalt  }
0x73: {  	_ =	shalt  }
0x74: {  	_ =	shalt  }
0x75: {  	_ =	shalt  }
0x76: {  	_ =	shalt  }
0x77: {  	_ =	shalt  }
0x78: {  	_ =	shalt  }
0x79: {  	_ =	shalt  }
0x7a: {  	_ =	shalt  }
0x7b: {  	_ =	shalt  }
0x7c: {  	_ =	shalt  }
0x7d: {  	_ =	shalt  }
0x7e: {  	_ =	shalt  }
0x7f: {  	_ =	shalt  }
0x80: {  	_ =	shalt  }
0x81: {  	_ =	shalt  }
0x82: {  	_ =	shalt  }
0x83: {  	_ =	shalt  }
0x84: {  	_ =	shalt  }
0x85: {  	_ =	shalt  }
0x86: {  	_ =	shalt  }
0x87: {  	_ =	shalt  }
.Lfunc_end0:
.L_simem_size_0:
called_computation.2_lowered:
.L_overlay_start_0:
0x88: {  	s2 =	sld [smem:$0x3FD9]  }
0x89: {  	s3 =	sld [smem:$0x3FFE];
	_ =	sdelay $0x1  }
0x8a: {  	s1 =	srdreg.scid  }
0x8b: {  	s0 =	sand.u32 $0x1, s1  }
0x8c: {  	s17 =	sshll.u32 s0, $0xA;
	s2 =	sadd.s32 s3, s2  }
0x8d: {  	s2 =	sadd.s32 s2, s17  }
0x8e: {  	[smem:$0x3FBE] =	sst s2  }
0x8f: {  	_ = 	snop  }
0x90: {  	s2 =	sld [smem:$0x3FC9]  }
0x91: {  	s18 =	sld [smem:$0x3FD0];
	(tm) =	ssettm $0x1  }
0x92: {  	s4 =	sld [smem:$0x3FFB];
	_ =	sdelay $0x3  }
0x93: {  	_ =	strace s4  }
0x94: {  	s4 =	sld [smem:$0x3FFC];
	_ =	sdelay $0x3  }
0x95: {  	_ =	strace s4  }
0x96: {  	s4 =	sld [smem:$0x3FFD];
	_ =	sdelay $0x3  }
0x97: {  	_ =	strace s4  }
0x98: {  	_ =	strace $0x8FFFFFFF  }
0x99: {  	s19 =	sld [smem:$0x3FDB];
	_ =	sdelay $0x1  }
0x9a: {  	s5 =	simm.s32 $_scs_section_size  }
0x9b: {  	s6 =	simm.s32 $_size__tile_overlayer_lowered;
	s7 =	simm.s32 $_tile_overlayer_lowered  }
0x9c: {  	s22 =	simm.s32 $0x1BFF;
	s21 =	sshll.u32 s7, $0x1;
	s4 =	sadd.s32 s5, s19  }
0x9d: {  	s8 =	simm.s32 $0x0;
	s20 =	sshll.u32 s6, $0x1;
	s6 =	sadd.s32 s21, s4  }
0x9e: {  	[timem:s8], [sflag:s22] =	dma.local [hbm:s6], s20  }
0x9f: {  	_ =	swait.ge [sflag:s22], s20  }
0xa0: {  	s5 =	ssub.s32 $0x0, s20;
	[sflag:s22] =	ssyncset.done $0x0  }
0xa1: {  	[sflag:s22] =	ssyncadd.s32 s5;
	_ =	sdelay $0x1  }
0xa2: {  	s23 =	simm.s32 $0x1B8B  }
0xa3: {  	_ =	swait.ge [sflag:s23], $0x1  }
0xa4: {  	[sflag:s23] =	ssyncset.done $0x0  }
0xa5: {  	s25 =	simm.s32 $0x1B8E;
	s24 =	sld [smem:$0x3FFE];
	[sflag:s23] =	ssyncadd.s32 $0xFFFFFFFF  }
0xa6: {  	s26 =	simm.s32 $execute0_lowered;
	[smem:$0x3FD2] =	sst s25  }
0xa7: {  	s6 =	sshll.u32 s26, $0x1;
	_ =	strace $0x8000004C;
	[dreg:$0x1] =	wrdreg $0xFFFFFFFF  }
0xa8: {  	s28 =	simm.s32 $_size_execute0_lowered;
	s4 =	sadd.s32 s4, s6;
	[dreg:$0x0] =	wrdreg $0x0  }
0xa9: {  	s6 =	sshll.u32 s28, $0x1;
	[dreg:$0x2] =	wrdreg s4  }
0xaa: {  	[dreg:$0x3] =	wrdreg s6  }
0xab: {  	[dreg:$0x4] =	wrdreg $0xC0  }
0xac: {  	_ =	task [dreg:s8], $0x5FFFF  }
0xad: {  	[dreg:$0x1] =	wrdreg $0xFFFFFFFF  }
0xae: {  	[dreg:$0x0] =	wrdreg $0x60  }
0xaf: {  	[dreg:$0x2] =	wrdreg s2  }
0xb0: {  	[dreg:$0x3] =	wrdreg s24  }
0xb1: {  	[dreg:$0x4] =	wrdreg s18  }
0xb2: {  	[dreg:$0x5] =	wrdreg $0x82800  }
0xb3: {  	[dreg:$0x6] =	wrdreg $0x1C2800  }
0xb4: {  	[dreg:$0x7] =	wrdreg $0x9  }
0xb5: {  	_ =	task.clear_ibuf [dreg:s8], $0x8FFFF;
	_ =	strace $0x9000004C  }
0xb6: {  	s29 =	simm.s32 $0x9;
	_ =	strace $0x8000004E  }
0xb7: {  	_ =	swait.ge [sflag:s29], $0x1  }
0xb8: {  	[sflag:s29] =	ssyncadd.s32 $0xFFFFFFFF  }
0xb9: {  	_ =	strace $0x9000004E  }
0xba: {  	_ =	sfence  }
0xbb: {  	s30 =	sld [smem:$0x0];
	_ =	sdelay $0x2  }
0xbc: {  	s31 =	sshll.u32 s1, $0xD;
	s1 =	sshrl.u32 s1, $0x2  }
0xbd: {  	s3 =	sand.u32 $0x4000, s31;
	s1 =	sadd.s32 s1, s30  }
0xbe: {  	s0 =	sor.u32 s3, s0;
	s1 =	sshll.u32 s1, $0x11  }
0xbf: {  	s0 =	sor.u32 s1, s0  }
0xc0: {  	s0 =	sadd.s32 $0x8F2B, s0  }
0xc1: {  	[sflag:s0] =	ssyncadd.remote.s32 $0x1  }
0xc2: {  	_ =	sfence.sel $0xFFFF  }
0xc3: {  	[dreg:$0x0] =	wrdreg $0xFFFFFFFF;
	(pc) =	sbr.abs _section_cstart, $3  }
0xc4: {  	[dreg:$0x1] =	wrdreg $0xFFFFFFFF  }
0xc5: {  	_ =	task.clear_ibuf [dreg:s8], $0x2FFFF;
	_ =	strace $0x9FFFFFFF  }
0xc6: {  	(tm) =	ssettm $0x7FFFFFFF  }
0xc7: {  	_ =	shalt  }
tec
execute0_lowered:
.L_overlay_start_1:
0x0: {  	(tag) =	ssettag $0x1  }
0x1: {  	s1 =	rddreg [dreg:$0x0]  }
0x2: {  	s0 =	rddreg [dreg:$0x1]  }
0x3: {  	s4 =	rddreg [dreg:$0x3]  }
0x4: {  	s5 =	rddreg [dreg:$0x4];
	s17 =	stileid.u32  }
0x5: {  	s6 =	simm.s32 $0x0;
	s3 =	srdreg.scid;
	s28 =	simm.s32 $0x200  }
0x6: {  	s29 =	simm.s32 $0x1;
	s30 =	simm.s32 $0x180;
	s2 =	smul.u32 $0x14000, s17  }
0x7: {  	s31 =	simm.s32 $0x4200;
	[smem:$0x7FF] =	sst s6;
	s7 =	smul.u32 $0x280, s17  }
0x8: {  	s3 =	sand.u32 $0x1, s3;
	s10 =	sadd.s32 $0x2AA00, s0;
	s19 =	smul.u32 $0xA0, s17  }
0x9: {  	s11 =	sadd.s32 $0x2E00, s0;
	s16 =	sshll.u32 s17, $0x1;
	s8 =	smul.u32 $0x140000, s3  }
0xa: {  	s18 =	sshll.u32 s17, $0x6;
	_ =	strace $0x8000004D;
	s13 =	smul.u32 $0x2800, s3  }
0xb: {  	s14 =	ssub.s32 $0x2, s3;
	s16 =	sor.u32 s3, s16;
	s3 =	smul.u32 $0x50, s3  }
0xc: {  	s9 =	sshrl.u32 s2, $0x3;
	s12 =	sshrl.u32 s7, $0x3;
	s15 =	sshrl.u32 s14, $0x1  }
0xd: {  	s8 =	sadd.s32 s2, s8;
	s9 =	sadd.s32 s9, s0;
	s12 =	sadd.s32 s12, s0  }
0xe: {  	s13 =	sadd.s32 s7, s13;
	s26 =	ssub.s32 s14, s15;
	s2 =	sadd.s32 s2, s4  }
0xf: {  	s14 =	smul.u32 $0x500, s16;
	s7 =	sadd.s32 s7, s5;
	s8 =	sshrl.u32 s8, $0x3  }
0x10: {  	s13 =	sshrl.u32 s13, $0x3;
	[dreg:$0x6] =	wrdreg s2;
	s9 =	sadd.s32 $0x34A00, s9  }
0x11: {  	[dreg:$0x8] =	wrdreg s7;
	s20 =	sadd.s32 $0xCE00, s12;
	s2 =	sadd.s32 s3, s19  }
0x12: {  	s3 =	simm.s32 $0x5;
	s7 =	simm.s32 $0x4;
	s8 =	sadd.s32 s8, s0  }
0x13: {  	s0 =	sadd.s32 s13, s0;
	[dreg:$0x7] =	wrdreg s9;
	s9 =	sor.u32 $0x1C06, s18  }
0x14: {  	[dreg:$0x9] =	wrdreg s20;
	s21 =	sadd.s32 s10, s14;
	s22 =	sadd.s32 s11, s14  }
0x15: {  	s23 =	sor.u32 $0x10, s14;
	s25 =	sshll.u32 s2, $0x4;
	[dreg:$0xa] =	wrdreg s21  }
0x16: {  	s18 =	smax.u32 s26, $0x1;
	[dreg:$0xb] =	wrdreg s22;
	s24 =	sadd.s32 s10, s23  }
0x17: {  	s15 =	sadd.s32 s11, s23;
	s16 =	sadd.s32 $0x5CA00, s8;
	s17 =	sadd.s32 $0xD400, s0  }
0x18: {  	s2 =	sadd.s32 s25, s10;
	s26 =	sadd.s32 s25, s11;
	s0 =	sor.u32 $0x20, s25  }
0x19: {  	s23 =	simm.s32 $0x6;
	s25 =	simm.s32 $0x100;
	s8 =	simm.s32 $0x0  }
0x1a: {  	[dreg:$0xc] =	wrdreg s24;
	s19 =	sadd.s32 $0x30, s2;
	s20 =	sadd.s32 $0x30, s26  }
0x1b: {  	s21 =	sadd.s32 s0, s10;
	s22 =	sadd.s32 s0, s11;
	s24 =	simm.s32 $0x8200  }
0x1c: {  	s26 =	simm.s32 $0x80;
	s0 =	simm.s32 $0x2;
	s2 =	simm.s32 $0x3  }
.LBB2_1:
0x1d: {  	s10 =	rddreg [dreg:$0x6]  }
0x1e: {  	s11 =	rddreg [dreg:$0x7];
	s10 =	sshrl.u32 s10, $0x3  }
0x1f: {  	[spmem:s10], [sflag:s9] =	dma.local [hbm:s11], $0x2800  }
0x20: {  	_ =	swait.ge [sflag:s23], $0x2800  }
0x21: {  	[sflag:s23] =	ssyncset.done $0x0;
	s12 =	rddreg [dreg:$0x8]  }
0x22: {  	[sflag:s23] =	ssyncadd.s32 $0xFFFFD800;
	s11 =	sshrl.u32 s12, $0x3;
	s12 =	rddreg [dreg:$0x9]  }
0x23: {  	[spmem:s11], [sflag:s9] =	dma.local [hbm:s12], $0x50  }
0x24: {  	_ =	swait.ge [sflag:s23], $0x50  }
0x25: {  	[sflag:s23] =	ssyncset.done $0x0  }
0x26: {  	[sflag:s23] =	ssyncadd.s32 $0xFFFFFFB0  }
0x27: {  	s13 =	rddreg [dreg:$0x2]  }
0x28: {  	[tilespmem:s24], [sflag:$0x6] =	stream.linear.gather [hbm4b:s13+s6], $0x80, $0x38;
	[tilespmem:$0x1C500] =	vst v63  }
0x29: {  	_ =	swait.ge [sflag:s23], $0x80  }
0x2a: {  	[sflag:s23] =	ssyncset.done $0x0  }
0x2b: {  	[sflag:s23] =	ssyncadd.s32 $0xFFFFFF80  }
0x2c: {  	[bflag:$0x0] =	sbarrier.arrive $0xFFFF  }
0x2d: {  	s14 =	rddreg [dreg:$0xa]  }
0x2e: {  	[tilespmem:s6], [sflag:$0x6] =	stream.linear.gather [hbm4b:s14+s6], $0x80, $0x38;
	[tilespmem:$0x1C500] =	vst v63  }
0x2f: {  	_ =	swait.ge [sflag:s23], $0x80  }
0x30: {  	[sflag:s23] =	ssyncset.done $0x0  }
0x31: {  	s13 =	rddreg [dreg:$0xb];
	[sflag:s23] =	ssyncadd.s32 $0xFFFFFF80  }
0x32: {  	[tilespmem:s25], [sflag:$0x6] =	stream.linear.gather [hbm4b:s13+s6], $0x80, $0x38;
	[tilespmem:$0x1C500] =	vst v63  }
0x33: {  	_ =	swait.ge [sflag:s23], $0x80  }
0x34: {  	[sflag:s23] =	ssyncset.done $0x0  }
0x35: {  	[sflag:s23] =	ssyncadd.s32 $0xFFFFFF80  }
0x36: {  	[tilespmem:s28], [sflag:$0x1] =	stream.indirect.gather [hbm4b:s1+s26], $0x80, s6, s26, $0xb8;
	[tilespmem:$0x1C500] =	vst v63  }
0x37: {  	_ =	swait.ge [sflag:s29], $0x4000  }
0x38: {  	[sflag:s29] =	ssyncset.done $0x0  }
0x39: {  	[sflag:s29] =	ssyncadd.s32 $0xFFFFC000  }
0x3a: {  	[spmem:s4] =	stream.indirect.scatter.add.f32 [tilespmem:s28], [sflag:$0x3], $0x80, s25, s26, $0xb8;
	[tilespmem:$0x1C500] =	vst v63  }
0x3b: {  	_ = 	snop  }
0x3c: {  	[spmem:s5] =	stream.indirect.scatter.add.f32 [tilespmem:s24], [sflag:$0x5], $0x1, s25, s26, $0xb8;
	[tilespmem:$0x1C500] =	vst v63  }
0x3d: {  	s14 =	rddreg [dreg:$0xc]  }
0x3e: {  	[tilespmem:s26], [sflag:$0x6] =	stream.linear.gather [hbm4b:s14+s6], $0x80, $0x38;
	[tilespmem:$0x1C500] =	vst v63  }
0x3f: {  	_ =	swait.ge [sflag:s23], $0x80  }
0x40: {  	[sflag:s23] =	ssyncset.done $0x0  }
0x41: {  	[sflag:s23] =	ssyncadd.s32 $0xFFFFFF80  }
0x42: {  	[tilespmem:s30], [sflag:$0x6] =	stream.linear.gather [hbm4b:s15+s6], $0x80, $0x38;
	[tilespmem:$0x1C500] =	vst v63  }
0x43: {  	_ =	swait.ge [sflag:s23], $0x80  }
0x44: {  	[sflag:s23] =	ssyncset.done $0x0  }
0x45: {  	[sflag:s23] =	ssyncadd.s32 $0xFFFFFF80  }
0x46: {  	[tilespmem:s31], [sflag:$0x2] =	stream.indirect.gather [hbm4b:s1+s26], $0x80, s26, s26, $0xb8;
	[tilespmem:$0x1C500] =	vst v63  }
0x47: {  	_ =	swait.ge [sflag:s0], $0x4000  }
0x48: {  	[sflag:s0] =	ssyncset.done $0x0  }
0x49: {  	[sflag:s0] =	ssyncadd.s32 $0xFFFFC000  }
0x4a: {  	[spmem:s4] =	stream.indirect.scatter.add.f32 [tilespmem:s31], [sflag:$0x4], $0x80, s30, s26, $0xb8;
	[tilespmem:$0x1C500] =	vst v63  }
0x4b: {  	_ = 	snop  }
0x4c: {  	[spmem:s5] =	stream.indirect.scatter.add.f32 [tilespmem:s24], [sflag:$0x5], $0x1, s30, s26, $0xb8;
	[tilespmem:$0x1C500] =	vst v63  }
0x4d: {  	_ =	swait.ge [sflag:s2], $0x4000  }
0x4e: {  	[sflag:s2] =	ssyncset.done $0x0  }
0x4f: {  	[sflag:s2] =	ssyncadd.s32 $0xFFFFC000  }
0x50: {  	_ =	swait.ge [sflag:s3], $0x80  }
0x51: {  	[sflag:s3] =	ssyncset.done $0x0  }
0x52: {  	s13 =	sadd.s32 $0x0, s21;
	[sflag:s3] =	ssyncadd.s32 $0xFFFFFF80  }
0x53: {  	[tilespmem:s6], [sflag:$0x6] =	stream.linear.gather [hbm4b:s13+s6], $0x80, $0x38;
	[tilespmem:$0x1C500] =	vst v63  }
0x54: {  	_ =	swait.ge [sflag:s23], $0x80  }
0x55: {  	[sflag:s23] =	ssyncset.done $0x0  }
0x56: {  	s14 =	sadd.s32 $0x0, s22;
	[sflag:s23] =	ssyncadd.s32 $0xFFFFFF80  }
0x57: {  	[tilespmem:s25], [sflag:$0x6] =	stream.linear.gather [hbm4b:s14+s6], $0x80, $0x38;
	[tilespmem:$0x1C500] =	vst v63  }
0x58: {  	_ =	swait.ge [sflag:s23], $0x80  }
0x59: {  	[sflag:s23] =	ssyncset.done $0x0  }
0x5a: {  	[sflag:s23] =	ssyncadd.s32 $0xFFFFFF80  }
0x5b: {  	[tilespmem:s28], [sflag:$0x1] =	stream.indirect.gather [hbm4b:s1+s26], $0x80, s6, s26, $0xb8;
	[tilespmem:$0x1C500] =	vst v63  }
0x5c: {  	_ =	swait.ge [sflag:s29], $0x4000  }
0x5d: {  	[sflag:s29] =	ssyncset.done $0x0  }
0x5e: {  	[sflag:s29] =	ssyncadd.s32 $0xFFFFC000  }
0x5f: {  	[spmem:s4] =	stream.indirect.scatter.add.f32 [tilespmem:s28], [sflag:$0x3], $0x80, s25, s26, $0xb8;
	[tilespmem:$0x1C500] =	vst v63  }
0x60: {  	_ = 	snop  }
0x61: {  	[spmem:s5] =	stream.indirect.scatter.add.f32 [tilespmem:s24], [sflag:$0x5], $0x1, s25, s26, $0xb8;
	[tilespmem:$0x1C500] =	vst v63  }
0x62: {  	_ =	swait.ge [sflag:s7], $0x4000  }
0x63: {  	[sflag:s7] =	ssyncset.done $0x0  }
0x64: {  	[sflag:s7] =	ssyncadd.s32 $0xFFFFC000  }
0x65: {  	_ =	swait.ge [sflag:s3], $0x80  }
0x66: {  	[sflag:s3] =	ssyncset.done $0x0  }
0x67: {  	s13 =	sadd.s32 $0x0, s19;
	[sflag:s3] =	ssyncadd.s32 $0xFFFFFF80  }
0x68: {  	[tilespmem:s26], [sflag:$0x6] =	stream.linear.gather [hbm4b:s13+s6], $0x80, $0x38;
	[tilespmem:$0x1C500] =	vst v63  }
0x69: {  	_ =	swait.ge [sflag:s23], $0x80  }
0x6a: {  	[sflag:s23] =	ssyncset.done $0x0  }
0x6b: {  	s14 =	sadd.s32 $0x0, s20;
	[sflag:s23] =	ssyncadd.s32 $0xFFFFFF80  }
0x6c: {  	[tilespmem:s30], [sflag:$0x6] =	stream.linear.gather [hbm4b:s14+s6], $0x80, $0x38;
	[tilespmem:$0x1C500] =	vst v63  }
0x6d: {  	_ =	swait.ge [sflag:s23], $0x80  }
0x6e: {  	[sflag:s23] =	ssyncset.done $0x0  }
0x6f: {  	s12 =	simm.s32 $0x20;
	[sflag:s23] =	ssyncadd.s32 $0xFFFFFF80  }
.LBB2_2:
0x70: {  	[tilespmem:s31], [sflag:$0x2] =	stream.indirect.gather [hbm4b:s1+s26], $0x80, s26, s26, $0xb8;
	[tilespmem:$0x1C500] =	vst v63  }
0x71: {  	s13 =	smov.u32 s12  }
0x72: {  	p0 =	sne.s32 s12, $0x4C0;
	s12 =	sadd.s32 $0x20, s12;
	_ =	swait.ge [sflag:s0], $0x4000  }
0x73: {  	[sflag:s0] =	ssyncset.done $0x0  }
0x74: {  	[sflag:s0] =	ssyncadd.s32 $0xFFFFC000  }
0x75: {  	[spmem:s4] =	stream.indirect.scatter.add.f32 [tilespmem:s31], [sflag:$0x4], $0x80, s30, s26, $0xb8;
	[tilespmem:$0x1C500] =	vst v63  }
0x76: {  	_ = 	snop  }
0x77: {  	[spmem:s5] =	stream.indirect.scatter.add.f32 [tilespmem:s24], [sflag:$0x5], $0x1, s30, s26, $0xb8;
	[tilespmem:$0x1C500] =	vst v63  }
0x78: {  	_ =	swait.ge [sflag:s2], $0x4000  }
0x79: {  	[sflag:s2] =	ssyncset.done $0x0  }
0x7a: {  	[sflag:s2] =	ssyncadd.s32 $0xFFFFC000  }
0x7b: {  	_ =	swait.ge [sflag:s3], $0x80  }
0x7c: {  	[sflag:s3] =	ssyncset.done $0x0  }
0x7d: {  	s14 =	sadd.s32 s13, s21;
	[sflag:s3] =	ssyncadd.s32 $0xFFFFFF80  }
0x7e: {  	[tilespmem:s6], [sflag:$0x6] =	stream.linear.gather [hbm4b:s14+s6], $0x80, $0x38;
	[tilespmem:$0x1C500] =	vst v63  }
0x7f: {  	_ =	swait.ge [sflag:s23], $0x80  }
0x80: {  	[sflag:s23] =	ssyncset.done $0x0  }
0x81: {  	s14 =	sadd.s32 s13, s22;
	[sflag:s23] =	ssyncadd.s32 $0xFFFFFF80  }
0x82: {  	[tilespmem:s25], [sflag:$0x6] =	stream.linear.gather [hbm4b:s14+s6], $0x80, $0x38;
	[tilespmem:$0x1C500] =	vst v63  }
0x83: {  	_ =	swait.ge [sflag:s23], $0x80  }
0x84: {  	[sflag:s23] =	ssyncset.done $0x0  }
0x85: {  	[sflag:s23] =	ssyncadd.s32 $0xFFFFFF80  }
0x86: {  	[tilespmem:s28], [sflag:$0x1] =	stream.indirect.gather [hbm4b:s1+s26], $0x80, s6, s26, $0xb8;
	[tilespmem:$0x1C500] =	vst v63  }
0x87: {  	_ =	swait.ge [sflag:s29], $0x4000  }
0x88: {  	[sflag:s29] =	ssyncset.done $0x0  }
0x89: {  	[sflag:s29] =	ssyncadd.s32 $0xFFFFC000  }
0x8a: {  	[spmem:s4] =	stream.indirect.scatter.add.f32 [tilespmem:s28], [sflag:$0x3], $0x80, s25, s26, $0xb8;
	[tilespmem:$0x1C500] =	vst v63  }
0x8b: {  	_ = 	snop  }
0x8c: {  	[spmem:s5] =	stream.indirect.scatter.add.f32 [tilespmem:s24], [sflag:$0x5], $0x1, s25, s26, $0xb8;
	[tilespmem:$0x1C500] =	vst v63  }
0x8d: {  	_ =	swait.ge [sflag:s7], $0x4000  }
0x8e: {  	[sflag:s7] =	ssyncset.done $0x0  }
0x8f: {  	[sflag:s7] =	ssyncadd.s32 $0xFFFFC000  }
0x90: {  	_ =	swait.ge [sflag:s3], $0x80  }
0x91: {  	[sflag:s3] =	ssyncset.done $0x0  }
0x92: {  	s14 =	sadd.s32 s13, s19;
	[sflag:s3] =	ssyncadd.s32 $0xFFFFFF80  }
0x93: {  	[tilespmem:s26], [sflag:$0x6] =	stream.linear.gather [hbm4b:s14+s6], $0x80, $0x38;
	[tilespmem:$0x1C500] =	vst v63  }
0x94: {  	_ =	swait.ge [sflag:s23], $0x80  }
0x95: {  	[sflag:s23] =	ssyncset.done $0x0  }
.Ltmp0:
0x96: {  	s13 =	sadd.s32 s13, s20;
	[sflag:s23] =	ssyncadd.s32 $0xFFFFFF80;
	(pc) =	sbr.rel @p0 .LBB2_2-.Ltmp0, $4  }
0x97: {  	[tilespmem:s30], [sflag:$0x6] =	stream.linear.gather [hbm4b:s13+s6], $0x80, $0x38;
	[tilespmem:$0x1C500] =	vst v63  }
0x98: {  	_ =	swait.ge [sflag:s23], $0x80  }
0x99: {  	[sflag:s23] =	ssyncset.done $0x0  }
0x9a: {  	[sflag:s23] =	ssyncadd.s32 $0xFFFFFF80  }
0x9b: {  	[tilespmem:s31], [sflag:$0x2] =	stream.indirect.gather [hbm4b:s1+s26], $0x80, s26, s26, $0xb8;
	[tilespmem:$0x1C500] =	vst v63  }
0x9c: {  	_ =	swait.ge [sflag:s0], $0x4000  }
0x9d: {  	[sflag:s0] =	ssyncset.done $0x0  }
0x9e: {  	[sflag:s0] =	ssyncadd.s32 $0xFFFFC000  }
0x9f: {  	[spmem:s4] =	stream.indirect.scatter.add.f32 [tilespmem:s31], [sflag:$0x4], $0x80, s30, s26, $0xb8;
	[tilespmem:$0x1C500] =	vst v63  }
0xa0: {  	_ = 	snop  }
0xa1: {  	[spmem:s5] =	stream.indirect.scatter.add.f32 [tilespmem:s24], [sflag:$0x5], $0x1, s30, s26, $0xb8;
	[tilespmem:$0x1C500] =	vst v63  }
0xa2: {  	_ =	swait.ge [sflag:s2], $0x4000  }
0xa3: {  	[sflag:s2] =	ssyncset.done $0x0  }
0xa4: {  	[sflag:s2] =	ssyncadd.s32 $0xFFFFC000  }
0xa5: {  	_ =	swait.ge [sflag:s3], $0x80  }
0xa6: {  	[sflag:s3] =	ssyncset.done $0x0  }
0xa7: {  	[sflag:s3] =	ssyncadd.s32 $0xFFFFFF80  }
0xa8: {  	_ =	swait.ge [sflag:s7], $0x4000  }
0xa9: {  	[sflag:s7] =	ssyncset.done $0x0  }
0xaa: {  	[sflag:s7] =	ssyncadd.s32 $0xFFFFC000  }
0xab: {  	_ =	swait.ge [sflag:s3], $0x80  }
0xac: {  	[sflag:s3] =	ssyncset.done $0x0  }
0xad: {  	[sflag:s3] =	ssyncadd.s32 $0xFFFFFF80  }
0xae: {  	[bflag:$0x0] =	sbarrier.arrive $0xFFFF  }
0xaf: {  	[hbm:s16], [sflag:s9] =	dma.local [spmem:s10], $0x2800  }
0xb0: {  	s8 =	sadd.s32 $0x1, s8;
	_ =	swait.ge [sflag:s23], $0x2800  }
0xb1: {  	p0 =	sne.s32 s8, s18;
	[sflag:s23] =	ssyncset.done $0x0  }
.Ltmp1:
0xb2: {  	[sflag:s23] =	ssyncadd.s32 $0xFFFFD800;
	(pc) =	sbr.rel @p0 .LBB2_1-.Ltmp1, $4  }
0xb3: {  	[hbm:s17], [sflag:s9] =	dma.local [spmem:s11], $0x50  }
0xb4: {  	_ =	swait.ge [sflag:s23], $0x50  }
0xb5: {  	[sflag:s23] =	ssyncset.done $0x0  }
0xb6: {  	[sflag:s23] =	ssyncadd.s32 $0xFFFFFFB0  }
0xb7: {  	_ =	sfence.sel $0x180000  }
0xb8: {  	[bflag:$0x0] =	sbarrier.arrive $0xFFFF  }
0xb9: {  	_ =	strace $0x9000004D  }
0xba: {  	s0 =	stileid.u32;
	[bflag:$0x2] =	sbarrier.arrive $0xFFFF  }
0xbb: {  	p0 =	sne.s32 s0, $0x0;
	s0 =	rddreg [dreg:$0x5]  }
0xbc: {  	s0 =	sadd.s32 @!p0 $0x100000, s0  }
0xbd: {  	[sflag:s0] =	ssyncadd.tile.s32 @!p0 $0x1;
	_ =	shalt  }
.Lfunc_end2:
_tile_overlayer_lowered:
.L_overlay_start_2:
0xbe: {  	(tag) =	ssettag $0x2  }
0xbf: {  	s0 =	rddreg [dreg:$0x0];
	s2 =	stileid.u32  }
0xc0: {  	s1 =	rddreg [dreg:$0x1];
	p0 =	sne.s32 s2, $0x0  }
0xc1: {  	s3 =	rddreg [dreg:$0x2];
	[bflag:$0x3] =	sbarrier.arrive $0xFFFF;
	s2 =	simm.s32 @!p0 $0x1C06  }
0xc2: {  	[timem:s3], [sflag:s2] =	dma.local @!p0 [hbm:s0], s1  }
0xc3: {  	s0 =	simm.s32 @!p0 $0x6  }
0xc4: {  	_ =	swait.ge @!p0 [sflag:s0], s1  }
0xc5: {  	s1 =	ssub.s32 @!p0 $0x0, s1;
	[sflag:s0] =	ssyncset.done @!p0 $0x0  }
0xc6: {  	[sflag:s0] =	ssyncadd.s32 @!p0 s1  }
0xc7: {  	[bflag:$0x3] =	sbarrier.arrive $0xFFFF  }
0xc8: {  	_ =	shalt  }

// kernel: kernel.9.cloned.1.call-start
scs
__scs_entry_jumppad:
0x0: {  	(pc) =	sbr.rel $0x88, $3  }
0x1: {  	(tag) =	ssettag $0x0;
	lr =	simm.s32 $0x1  }
0x2: {  	[smem:$0x3F97] =	sst lr;
	_ =	strace $0xD0000000  }
0x3: {  	_ = 	snop  }
0x4: {  	_ = 	snop  }
0x5: {  	_ = 	snop  }
0x6: {  	_ = 	snop  }
0x7: {  	_ = 	snop  }
__scs_overlays_trampoline_lowered:
0x8: {  	[smem:$0x3FA6] =	sst s0  }
0x9: {  	[smem:$0x3FA7] =	sst s1  }
0xa: {  	[smem:$0x3FA8] =	sst s2  }
0xb: {  	[smem:$0x3FA9] =	sst s3  }
0xc: {  	[smem:$0x3FAA] =	sst s4  }
0xd: {  	[smem:$0x3FAB] =	sst s5  }
0xe: {  	[smem:$0x3FAC] =	sst s6  }
0xf: {  	[smem:$0x3FAD] =	sst s7  }
0x10: {  	[smem:$0x3FAE] =	sst s8  }
0x11: {  	[smem:$0x3FAF] =	sst s9;
	s0 =	simm.s32 @!p0 $0x0  }
0x12: {  	s1 =	sld [smem:$0x3F95];
	s0 =	simm.s32 @p0 $0x1  }
0x13: {  	[smem:$0x3FB0] =	sst s0;
	s0 =	simm.s32 @!p1 $0x0  }
0x14: {  	s2 =	sld [smem:$0x3F94];
	s0 =	simm.s32 @p1 $0x1  }
0x15: {  	[smem:$0x3FB1] =	sst s0;
	s0 =	simm.s32 @!p2 $0x0  }
0x16: {  	s3 =	sld [smem:$0x3FDB];
	s0 =	simm.s32 @p2 $0x1  }
0x17: {  	s4 =	simm.s32 $0x1BF5;
	[smem:$0x3FB3] =	sst s0  }
0x18: {  	s0 =	sld [smem:$0x3F96];
	_ =	swait.ge [sflag:s4], $0x0  }
0x19: {  	s7 =	sld [smem:$0x3F97]  }
0x1a: {  	s8 =	sadd.s32 $0xFFFFE003, lr  }
0x1b: {  	s9 =	sadd.s32 $0xFFFFFEF7, lr;
	s5 =	simm.s32 $0xFFFFFFFF;
	p2 =	slt.u32 s8, $0xFFFFF086  }
0x1c: {  	p1 =	slt.u32 s9, $0xF7A;
	s5 =	simm.s32 @!p2 $0x0  }
0x1d: {  	s5 =	simm.s32 @p1 $0x1;
	p0 =	seq.s32 s7, s2  }
0x1e: {  	s7 =	smul.u32 @!p0 $0xF7A, s2;
	p2 =	seq.s32 @!p0 s5, $0x0  }
0x1f: {  	s9 =	smul.u32 $0xF7A, s1;
	s8 =	simm.s32 @!p0 $0x1BF5;
	p2 =	por !p2, p0  }
0x20: {  	[sflag:s8] =	ssyncset.s32 @!p0 $0xFFFFF086;
	s6 =	sadd.s32 @!p0 s3, s7;
	s7 =	simm.s32 @!p0 $0x108  }
0x21: {  	s3 =	sadd.s32 s3, s9;
	s6 =	sadd.s32 @!p0 $0x88, s6;
	s7 =	simm.s32 @p2 $0x1082  }
0x22: {  	[simem:s7], [sflag:s8] =	dma.local @!p0 [hbm:s6], $0xF7A  }
0x23: {  	s9 =	sor.u32 $0xD0000000, s2;
	s6 =	simm.s32 $0x108;
	_ =	swait.ge @!p0 [sflag:s8], $0x0  }
0x24: {  	s3 =	sadd.s32 $0x88, s3;
	s6 =	simm.s32 @!p1 $0x1082;
	[sflag:s4] =	ssyncset.s32 $0xFFFFF086  }
0x25: {  	[simem:s6], [sflag:s4] =	dma.local [hbm:s3], $0xF7A  }
0x26: {  	[smem:$0x3F97] =	sst s1;
	(tag) =	ssettag s2;
	_ =	strace s9  }
0x27: {  	s1 =	sld [smem:$0x3FA7]  }
0x28: {  	s2 =	sld [smem:$0x3FA8]  }
0x29: {  	s4 =	sld [smem:$0x3FAA]  }
0x2a: {  	p0 =	seq.s32 s5, $0x0;
	s5 =	sld [smem:$0x3FAB]  }
0x2b: {  	s6 =	sld [smem:$0x3FAC]  }
0x2c: {  	s7 =	sld [smem:$0x3FAD]  }
0x2d: {  	s3 =	simm.s32 $0x108;
	s8 =	sld [smem:$0x3FAE]  }
0x2e: {  	s3 =	simm.s32 @!p0 $0x1082;
	s9 =	sld [smem:$0x3FAF]  }
0x2f: {  	lr =	sadd.s32 s0, s3;
	s0 =	sld [smem:$0x3FA6]  }
0x30: {  	s3 =	sld [smem:$0x3FA9]  }
0x31: {  	[smem:$0x3FB2] =	sst s10  }
0x32: {  	s10 =	sld [smem:$0x3FB0];
	_ =	sdelay $0x3  }
0x33: {  	p0 =	seq.s32 s10, $0x1;
	s10 =	sld [smem:$0x3FB2];
	_ =	sdelay $0x3  }
0x34: {  	[smem:$0x3FB2] =	sst s10  }
0x35: {  	s10 =	sld [smem:$0x3FB1];
	_ =	sdelay $0x3  }
0x36: {  	p1 =	seq.s32 s10, $0x1;
	s10 =	sld [smem:$0x3FB2];
	_ =	sdelay $0x3  }
0x37: {  	[smem:$0x3FB2] =	sst s10  }
0x38: {  	s10 =	sld [smem:$0x3FB3]  }
0x39: {  	_ = 	snop;
	(pc) =	sbr.ind lr, $3  }
0x3a: {  	_ = 	snop  }
0x3b: {  	_ = 	snop  }
0x3c: {  	p2 =	seq.s32 s10, $0x1;
	s10 =	sld [smem:$0x3FB2]  }
0x3d: {  	_ =	shalt  }
0x3e: {  	_ =	shalt  }
0x3f: {  	_ =	shalt  }
0x40: {  	_ =	shalt  }
0x41: {  	_ =	shalt  }
0x42: {  	_ =	shalt  }
0x43: {  	_ =	shalt  }
0x44: {  	_ =	shalt  }
0x45: {  	_ =	shalt  }
0x46: {  	_ =	shalt  }
0x47: {  	_ =	shalt  }
0x48: {  	_ =	shalt  }
0x49: {  	_ =	shalt  }
0x4a: {  	_ =	shalt  }
0x4b: {  	_ =	shalt  }
0x4c: {  	_ =	shalt  }
0x4d: {  	_ =	shalt  }
0x4e: {  	_ =	shalt  }
0x4f: {  	_ =	shalt  }
0x50: {  	_ =	shalt  }
0x51: {  	_ =	shalt  }
0x52: {  	_ =	shalt  }
0x53: {  	_ =	shalt  }
0x54: {  	_ =	shalt  }
0x55: {  	_ =	shalt  }
0x56: {  	_ =	shalt  }
0x57: {  	_ =	shalt  }
0x58: {  	_ =	shalt  }
0x59: {  	_ =	shalt  }
0x5a: {  	_ =	shalt  }
0x5b: {  	_ =	shalt  }
0x5c: {  	_ =	shalt  }
0x5d: {  	_ =	shalt  }
0x5e: {  	_ =	shalt  }
0x5f: {  	_ =	shalt  }
0x60: {  	_ =	shalt  }
0x61: {  	_ =	shalt  }
0x62: {  	_ =	shalt  }
0x63: {  	_ =	shalt  }
0x64: {  	_ =	shalt  }
0x65: {  	_ =	shalt  }
0x66: {  	_ =	shalt  }
0x67: {  	_ =	shalt  }
0x68: {  	_ =	shalt  }
0x69: {  	_ =	shalt  }
0x6a: {  	_ =	shalt  }
0x6b: {  	_ =	shalt  }
0x6c: {  	_ =	shalt  }
0x6d: {  	_ =	shalt  }
0x6e: {  	_ =	shalt  }
0x6f: {  	_ =	shalt  }
0x70: {  	_ =	shalt  }
0x71: {  	_ =	shalt  }
0x72: {  	_ =	shalt  }
0x73: {  	_ =	shalt  }
0x74: {  	_ =	shalt  }
0x75: {  	_ =	shalt  }
0x76: {  	_ =	shalt  }
0x77: {  	_ =	shalt  }
0x78: {  	_ =	shalt  }
0x79: {  	_ =	shalt  }
0x7a: {  	_ =	shalt  }
0x7b: {  	_ =	shalt  }
0x7c: {  	_ =	shalt  }
0x7d: {  	_ =	shalt  }
0x7e: {  	_ =	shalt  }
0x7f: {  	_ =	shalt  }
0x80: {  	_ =	shalt  }
0x81: {  	_ =	shalt  }
0x82: {  	_ =	shalt  }
0x83: {  	_ =	shalt  }
0x84: {  	_ =	shalt  }
0x85: {  	_ =	shalt  }
0x86: {  	_ =	shalt  }
0x87: {  	_ =	shalt  }
.Lfunc_end0:
.L_simem_size_0:
called_computation.3_lowered:
.L_overlay_start_0:
0x88: {  	s2 =	sld [smem:$0x3FD9]  }
0x89: {  	s3 =	sld [smem:$0x3FFE];
	_ =	sdelay $0x1  }
0x8a: {  	s1 =	srdreg.scid  }
0x8b: {  	s0 =	sand.u32 $0x1, s1  }
0x8c: {  	s16 =	sshll.u32 s0, $0xA;
	s2 =	sadd.s32 s3, s2  }
0x8d: {  	s2 =	sadd.s32 s2, s16  }
0x8e: {  	[smem:$0x3FBE] =	sst s2  }
0x8f: {  	_ = 	snop  }
0x90: {  	(tm) =	ssettm $0x1  }
0x91: {  	s17 =	sld [smem:$0x3FFB];
	_ =	sdelay $0x3  }
0x92: {  	_ =	strace s17  }
0x93: {  	s2 =	sld [smem:$0x3FFC];
	_ =	sdelay $0x3  }
0x94: {  	_ =	strace s2  }
0x95: {  	s2 =	sld [smem:$0x3FFD];
	_ =	sdelay $0x3  }
0x96: {  	_ =	strace s2  }
0x97: {  	_ =	strace $0x8FFFFFFF  }
0x98: {  	s18 =	sld [smem:$0x3FDB];
	_ =	sdelay $0x1  }
0x99: {  	s19 =	simm.s32 $_scs_section_size  }
0x9a: {  	s4 =	simm.s32 $_size__tile_overlayer_lowered;
	s5 =	simm.s32 $_tile_overlayer_lowered  }
0x9b: {  	s22 =	simm.s32 $0x1BFF;
	s21 =	sshll.u32 s5, $0x1;
	s2 =	sadd.s32 s19, s18  }
0x9c: {  	s6 =	simm.s32 $0x0;
	s20 =	sshll.u32 s4, $0x1;
	s4 =	sadd.s32 s21, s2  }
0x9d: {  	[timem:s6], [sflag:s22] =	dma.local [hbm:s4], s20  }
0x9e: {  	_ =	swait.ge [sflag:s22], s20  }
0x9f: {  	s3 =	ssub.s32 $0x0, s20;
	[sflag:s22] =	ssyncset.done $0x0  }
0xa0: {  	[sflag:s22] =	ssyncadd.s32 s3;
	_ =	sdelay $0x1  }
0xa1: {  	s23 =	simm.s32 $0x1B8B  }
0xa2: {  	_ =	swait.ge [sflag:s23], $0x1  }
0xa3: {  	[sflag:s23] =	ssyncset.done $0x0  }
0xa4: {  	s25 =	simm.s32 $0x1B8E;
	s24 =	sld [smem:$0x3FFE];
	[sflag:s23] =	ssyncadd.s32 $0xFFFFFFFF  }
0xa5: {  	s26 =	simm.s32 $execute0_lowered;
	[smem:$0x3FD2] =	sst s25  }
0xa6: {  	s4 =	sshll.u32 s26, $0x1;
	_ =	strace $0x8000004F;
	[dreg:$0x1] =	wrdreg $0xFFFFFFFF  }
0xa7: {  	s28 =	simm.s32 $_size_execute0_lowered;
	s2 =	sadd.s32 s2, s4;
	[dreg:$0x0] =	wrdreg $0x0  }
0xa8: {  	s4 =	sshll.u32 s28, $0x1;
	[dreg:$0x2] =	wrdreg s2  }
0xa9: {  	[dreg:$0x3] =	wrdreg s4  }
0xaa: {  	[dreg:$0x4] =	wrdreg $0xC0  }
0xab: {  	_ =	task [dreg:s6], $0x5FFFF  }
0xac: {  	[dreg:$0x1] =	wrdreg $0xFFFFFFFF  }
0xad: {  	[dreg:$0x0] =	wrdreg $0x60  }
0xae: {  	[dreg:$0x2] =	wrdreg s24  }
0xaf: {  	[dreg:$0x3] =	wrdreg $0x82000  }
0xb0: {  	[dreg:$0x4] =	wrdreg $0x9  }
0xb1: {  	_ =	task.clear_ibuf [dreg:s6], $0x5FFFF;
	_ =	strace $0x9000004F  }
0xb2: {  	s29 =	simm.s32 $0x9;
	_ =	strace $0x80000051  }
0xb3: {  	_ =	swait.ge [sflag:s29], $0x1  }
0xb4: {  	[sflag:s29] =	ssyncadd.s32 $0xFFFFFFFF  }
0xb5: {  	_ =	strace $0x90000051  }
0xb6: {  	_ =	sfence  }
0xb7: {  	s30 =	sld [smem:$0x0];
	_ =	sdelay $0x2  }
0xb8: {  	s31 =	sshll.u32 s1, $0xD;
	s1 =	sshrl.u32 s1, $0x2  }
0xb9: {  	s3 =	sand.u32 $0x4000, s31;
	s1 =	sadd.s32 s1, s30  }
0xba: {  	s0 =	sor.u32 s3, s0;
	s1 =	sshll.u32 s1, $0x11  }
0xbb: {  	s0 =	sor.u32 s1, s0  }
0xbc: {  	s0 =	sadd.s32 $0x8F2B, s0  }
0xbd: {  	[sflag:s0] =	ssyncadd.remote.s32 $0x1  }
0xbe: {  	_ =	sfence.sel $0xFFFF  }
0xbf: {  	[dreg:$0x0] =	wrdreg $0xFFFFFFFF;
	(pc) =	sbr.abs _section_cstart, $3  }
0xc0: {  	[dreg:$0x1] =	wrdreg $0xFFFFFFFF  }
0xc1: {  	_ =	task.clear_ibuf [dreg:s6], $0x2FFFF;
	_ =	strace $0x9FFFFFFF  }
0xc2: {  	(tm) =	ssettm $0x7FFFFFFF  }
0xc3: {  	_ =	shalt  }
tec
execute0_lowered:
.L_overlay_start_1:
0x0: {  	(tag) =	ssettag $0x1  }
0x1: {  	s5 =	rddreg [dreg:$0x0]  }
0x2: {  	s2 =	rddreg [dreg:$0x1];
	s3 =	simm.s32 $0x0;
	s1 =	stileid.u32  }
0x3: {  	s7 =	srdreg.scid;
	s20 =	simm.s32 $0x80;
	s21 =	simm.s32 $0x200  }
0x4: {  	s22 =	simm.s32 $0x1;
	s23 =	simm.s32 $0x180;
	s24 =	simm.s32 $0x4200  }
0x5: {  	s28 =	simm.s32 $0x4;
	s29 =	simm.s32 $0x0;
	[smem:$0x7FF] =	sst s3  }
0x6: {  	s6 =	smul.u32 $0x14000, s1;
	s4 =	sadd.s32 $0x83C00, s5;
	s7 =	sand.u32 $0x1, s7  }
0x7: {  	s15 =	sadd.s32 $0x2AA00, s5;
	s16 =	sadd.s32 $0x2E00, s5;
	s10 =	sshll.u32 s1, $0x1  }
0x8: {  	s25 =	smul.u32 $0xA0, s1;
	s26 =	sshll.u32 s1, $0x6;
	_ =	strace $0x80000050  }
0x9: {  	s9 =	smul.u32 $0x140000, s7;
	s11 =	ssub.s32 $0x2, s7;
	s10 =	sor.u32 s7, s10  }
0xa: {  	s30 =	smul.u32 $0x50, s7;
	s8 =	sshrl.u32 s6, $0x3;
	s12 =	sshrl.u32 s11, $0x1  }
0xb: {  	s10 =	smul.u32 $0x500, s10;
	s17 =	sadd.s32 s6, s2;
	s8 =	sadd.s32 s8, s5  }
0xc: {  	s9 =	sadd.s32 s6, s9;
	s12 =	ssub.s32 s11, s12;
	s6 =	sor.u32 $0x1C05, s26  }
0xd: {  	s11 =	sadd.s32 s30, s25;
	s17 =	sshrl.u32 s17, $0x3;
	s25 =	simm.s32 $0x2  }
0xe: {  	s26 =	simm.s32 $0x3;
	s9 =	sshrl.u32 s9, $0x3;
	s7 =	sadd.s32 s15, s10  }
0xf: {  	s14 =	sshll.u32 s11, $0x4;
	s12 =	smax.u32 s12, $0x1;
	s13 =	sadd.s32 s9, s5  }
0x10: {  	s5 =	sadd.s32 $0x34A00, s8;
	s8 =	sadd.s32 s16, s10;
	s10 =	sor.u32 $0x10, s10  }
0x11: {  	s31 =	sadd.s32 s14, s15;
	s18 =	sadd.s32 s14, s16;
	s19 =	sor.u32 $0x20, s14  }
0x12: {  	s9 =	sadd.s32 s15, s10;
	s10 =	sadd.s32 s16, s10;
	s11 =	sadd.s32 $0xAAE00, s13  }
0x13: {  	s13 =	sadd.s32 $0x30, s31;
	s14 =	sadd.s32 $0x30, s18;
	s15 =	sadd.s32 s19, s15  }
0x14: {  	s16 =	sadd.s32 s19, s16;
	s18 =	simm.s32 $0x5;
	s19 =	simm.s32 $0x100  }
.LBB2_1:
0x15: {  	[spmem:s17], [sflag:s6] =	dma.local [hbm:s5], $0x2800  }
0x16: {  	_ =	swait.ge [sflag:s18], $0x2800  }
0x17: {  	[sflag:s18] =	ssyncset.done $0x0  }
0x18: {  	[sflag:s18] =	ssyncadd.s32 $0xFFFFD800  }
0x19: {  	[bflag:$0x0] =	sbarrier.arrive $0xFFFF  }
0x1a: {  	[tilespmem:s3], [sflag:$0x5] =	stream.linear.gather [hbm4b:s7+s3], $0x80, $0x38;
	[tilespmem:$0x1C200] =	vst v63  }
0x1b: {  	_ =	swait.ge [sflag:s18], $0x80  }
0x1c: {  	[sflag:s18] =	ssyncset.done $0x0  }
0x1d: {  	[sflag:s18] =	ssyncadd.s32 $0xFFFFFF80  }
0x1e: {  	[tilespmem:s19], [sflag:$0x5] =	stream.linear.gather [hbm4b:s8+s3], $0x80, $0x38;
	[tilespmem:$0x1C200] =	vst v63  }
0x1f: {  	_ =	swait.ge [sflag:s18], $0x80  }
0x20: {  	[sflag:s18] =	ssyncset.done $0x0  }
0x21: {  	[sflag:s18] =	ssyncadd.s32 $0xFFFFFF80  }
0x22: {  	[tilespmem:s21], [sflag:$0x1] =	stream.indirect.gather [hbm4b:s4+s20], $0x80, s3, s20, $0xb8;
	[tilespmem:$0x1C200] =	vst v63  }
0x23: {  	_ =	swait.ge [sflag:s22], $0x4000  }
0x24: {  	[sflag:s22] =	ssyncset.done $0x0  }
0x25: {  	[sflag:s22] =	ssyncadd.s32 $0xFFFFC000  }
0x26: {  	[spmem:s2] =	stream.indirect.scatter.add.f32 [tilespmem:s21], [sflag:$0x3], $0x80, s19, s20, $0xb8;
	[tilespmem:$0x1C200] =	vst v63  }
0x27: {  	_ = 	snop  }
0x28: {  	[tilespmem:s20], [sflag:$0x5] =	stream.linear.gather [hbm4b:s9+s3], $0x80, $0x38;
	[tilespmem:$0x1C200] =	vst v63  }
0x29: {  	_ =	swait.ge [sflag:s18], $0x80  }
0x2a: {  	[sflag:s18] =	ssyncset.done $0x0  }
0x2b: {  	[sflag:s18] =	ssyncadd.s32 $0xFFFFFF80  }
0x2c: {  	[tilespmem:s23], [sflag:$0x5] =	stream.linear.gather [hbm4b:s10+s3], $0x80, $0x38;
	[tilespmem:$0x1C200] =	vst v63  }
0x2d: {  	_ =	swait.ge [sflag:s18], $0x80  }
0x2e: {  	[sflag:s18] =	ssyncset.done $0x0  }
0x2f: {  	[sflag:s18] =	ssyncadd.s32 $0xFFFFFF80  }
0x30: {  	[tilespmem:s24], [sflag:$0x2] =	stream.indirect.gather [hbm4b:s4+s20], $0x80, s20, s20, $0xb8;
	[tilespmem:$0x1C200] =	vst v63  }
0x31: {  	_ =	swait.ge [sflag:s25], $0x4000  }
0x32: {  	[sflag:s25] =	ssyncset.done $0x0  }
0x33: {  	[sflag:s25] =	ssyncadd.s32 $0xFFFFC000  }
0x34: {  	[spmem:s2] =	stream.indirect.scatter.add.f32 [tilespmem:s24], [sflag:$0x4], $0x80, s23, s20, $0xb8;
	[tilespmem:$0x1C200] =	vst v63  }
0x35: {  	_ =	swait.ge [sflag:s26], $0x4000  }
0x36: {  	[sflag:s26] =	ssyncset.done $0x0  }
0x37: {  	s30 =	sadd.s32 $0x0, s15;
	[sflag:s26] =	ssyncadd.s32 $0xFFFFC000  }
0x38: {  	[tilespmem:s3], [sflag:$0x5] =	stream.linear.gather [hbm4b:s30+s3], $0x80, $0x38;
	[tilespmem:$0x1C200] =	vst v63  }
0x39: {  	_ =	swait.ge [sflag:s18], $0x80  }
0x3a: {  	[sflag:s18] =	ssyncset.done $0x0  }
0x3b: {  	s30 =	sadd.s32 $0x0, s16;
	[sflag:s18] =	ssyncadd.s32 $0xFFFFFF80  }
0x3c: {  	[tilespmem:s19], [sflag:$0x5] =	stream.linear.gather [hbm4b:s30+s3], $0x80, $0x38;
	[tilespmem:$0x1C200] =	vst v63  }
0x3d: {  	_ =	swait.ge [sflag:s18], $0x80  }
0x3e: {  	[sflag:s18] =	ssyncset.done $0x0  }
0x3f: {  	[sflag:s18] =	ssyncadd.s32 $0xFFFFFF80  }
0x40: {  	[tilespmem:s21], [sflag:$0x1] =	stream.indirect.gather [hbm4b:s4+s20], $0x80, s3, s20, $0xb8;
	[tilespmem:$0x1C200] =	vst v63  }
0x41: {  	_ =	swait.ge [sflag:s22], $0x4000  }
0x42: {  	[sflag:s22] =	ssyncset.done $0x0  }
0x43: {  	[sflag:s22] =	ssyncadd.s32 $0xFFFFC000  }
0x44: {  	[spmem:s2] =	stream.indirect.scatter.add.f32 [tilespmem:s21], [sflag:$0x3], $0x80, s19, s20, $0xb8;
	[tilespmem:$0x1C200] =	vst v63  }
0x45: {  	_ =	swait.ge [sflag:s28], $0x4000  }
0x46: {  	[sflag:s28] =	ssyncset.done $0x0  }
0x47: {  	s30 =	sadd.s32 $0x0, s13;
	[sflag:s28] =	ssyncadd.s32 $0xFFFFC000  }
0x48: {  	[tilespmem:s20], [sflag:$0x5] =	stream.linear.gather [hbm4b:s30+s3], $0x80, $0x38;
	[tilespmem:$0x1C200] =	vst v63  }
0x49: {  	_ =	swait.ge [sflag:s18], $0x80  }
0x4a: {  	[sflag:s18] =	ssyncset.done $0x0  }
0x4b: {  	s30 =	sadd.s32 $0x0, s14;
	[sflag:s18] =	ssyncadd.s32 $0xFFFFFF80  }
0x4c: {  	[tilespmem:s23], [sflag:$0x5] =	stream.linear.gather [hbm4b:s30+s3], $0x80, $0x38;
	[tilespmem:$0x1C200] =	vst v63  }
0x4d: {  	_ =	swait.ge [sflag:s18], $0x80  }
0x4e: {  	[sflag:s18] =	ssyncset.done $0x0  }
0x4f: {  	s30 =	simm.s32 $0x20;
	[sflag:s18] =	ssyncadd.s32 $0xFFFFFF80  }
.LBB2_2:
0x50: {  	[tilespmem:s24], [sflag:$0x2] =	stream.indirect.gather [hbm4b:s4+s20], $0x80, s20, s20, $0xb8;
	[tilespmem:$0x1C200] =	vst v63  }
0x51: {  	s31 =	smov.u32 s30  }
0x52: {  	p0 =	sne.s32 s30, $0x4C0;
	s30 =	sadd.s32 $0x20, s30;
	_ =	swait.ge [sflag:s25], $0x4000  }
0x53: {  	[sflag:s25] =	ssyncset.done $0x0  }
0x54: {  	[sflag:s25] =	ssyncadd.s32 $0xFFFFC000  }
0x55: {  	[spmem:s2] =	stream.indirect.scatter.add.f32 [tilespmem:s24], [sflag:$0x4], $0x80, s23, s20, $0xb8;
	[tilespmem:$0x1C200] =	vst v63  }
0x56: {  	_ =	swait.ge [sflag:s26], $0x4000  }
0x57: {  	[sflag:s26] =	ssyncset.done $0x0  }
0x58: {  	s0 =	sadd.s32 s31, s15;
	[sflag:s26] =	ssyncadd.s32 $0xFFFFC000  }
0x59: {  	[tilespmem:s3], [sflag:$0x5] =	stream.linear.gather [hbm4b:s0+s3], $0x80, $0x38;
	[tilespmem:$0x1C200] =	vst v63  }
0x5a: {  	_ =	swait.ge [sflag:s18], $0x80  }
0x5b: {  	[sflag:s18] =	ssyncset.done $0x0  }
0x5c: {  	s0 =	sadd.s32 s31, s16;
	[sflag:s18] =	ssyncadd.s32 $0xFFFFFF80  }
0x5d: {  	[tilespmem:s19], [sflag:$0x5] =	stream.linear.gather [hbm4b:s0+s3], $0x80, $0x38;
	[tilespmem:$0x1C200] =	vst v63  }
0x5e: {  	_ =	swait.ge [sflag:s18], $0x80  }
0x5f: {  	[sflag:s18] =	ssyncset.done $0x0  }
0x60: {  	[sflag:s18] =	ssyncadd.s32 $0xFFFFFF80  }
0x61: {  	[tilespmem:s21], [sflag:$0x1] =	stream.indirect.gather [hbm4b:s4+s20], $0x80, s3, s20, $0xb8;
	[tilespmem:$0x1C200] =	vst v63  }
0x62: {  	_ =	swait.ge [sflag:s22], $0x4000  }
0x63: {  	[sflag:s22] =	ssyncset.done $0x0  }
0x64: {  	[sflag:s22] =	ssyncadd.s32 $0xFFFFC000  }
0x65: {  	[spmem:s2] =	stream.indirect.scatter.add.f32 [tilespmem:s21], [sflag:$0x3], $0x80, s19, s20, $0xb8;
	[tilespmem:$0x1C200] =	vst v63  }
0x66: {  	_ =	swait.ge [sflag:s28], $0x4000  }
0x67: {  	[sflag:s28] =	ssyncset.done $0x0  }
0x68: {  	s0 =	sadd.s32 s31, s13;
	[sflag:s28] =	ssyncadd.s32 $0xFFFFC000  }
0x69: {  	[tilespmem:s20], [sflag:$0x5] =	stream.linear.gather [hbm4b:s0+s3], $0x80, $0x38;
	[tilespmem:$0x1C200] =	vst v63  }
0x6a: {  	_ =	swait.ge [sflag:s18], $0x80  }
0x6b: {  	[sflag:s18] =	ssyncset.done $0x0  }
.Ltmp0:
0x6c: {  	s0 =	sadd.s32 s31, s14;
	[sflag:s18] =	ssyncadd.s32 $0xFFFFFF80;
	(pc) =	sbr.rel @p0 .LBB2_2-.Ltmp0, $4  }
0x6d: {  	[tilespmem:s23], [sflag:$0x5] =	stream.linear.gather [hbm4b:s0+s3], $0x80, $0x38;
	[tilespmem:$0x1C200] =	vst v63  }
0x6e: {  	_ =	swait.ge [sflag:s18], $0x80  }
0x6f: {  	[sflag:s18] =	ssyncset.done $0x0  }
0x70: {  	[sflag:s18] =	ssyncadd.s32 $0xFFFFFF80  }
0x71: {  	[tilespmem:s24], [sflag:$0x2] =	stream.indirect.gather [hbm4b:s4+s20], $0x80, s20, s20, $0xb8;
	[tilespmem:$0x1C200] =	vst v63  }
0x72: {  	_ =	swait.ge [sflag:s25], $0x4000  }
0x73: {  	[sflag:s25] =	ssyncset.done $0x0  }
0x74: {  	[sflag:s25] =	ssyncadd.s32 $0xFFFFC000  }
0x75: {  	[spmem:s2] =	stream.indirect.scatter.add.f32 [tilespmem:s24], [sflag:$0x4], $0x80, s23, s20, $0xb8;
	[tilespmem:$0x1C200] =	vst v63  }
0x76: {  	_ =	swait.ge [sflag:s26], $0x4000  }
0x77: {  	[sflag:s26] =	ssyncset.done $0x0  }
0x78: {  	[sflag:s26] =	ssyncadd.s32 $0xFFFFC000  }
0x79: {  	_ =	swait.ge [sflag:s28], $0x4000  }
0x7a: {  	s29 =	sadd.s32 $0x1, s29;
	[sflag:s28] =	ssyncset.done $0x0  }
0x7b: {  	p0 =	sne.s32 s29, s12;
	[sflag:s28] =	ssyncadd.s32 $0xFFFFC000  }
.Ltmp1:
0x7c: {  	[bflag:$0x0] =	sbarrier.arrive $0xFFFF;
	(pc) =	sbr.rel @p0 .LBB2_1-.Ltmp1, $4  }
0x7d: {  	[hbm:s11], [sflag:s6] =	dma.local [spmem:s17], $0x2800  }
0x7e: {  	_ =	swait.ge [sflag:s18], $0x2800  }
0x7f: {  	[sflag:s18] =	ssyncset.done $0x0  }
0x80: {  	[sflag:s18] =	ssyncadd.s32 $0xFFFFD800  }
0x81: {  	_ =	sfence.sel $0x180000  }
0x82: {  	[bflag:$0x0] =	sbarrier.arrive $0xFFFF  }
0x83: {  	_ =	strace $0x90000050  }
0x84: {  	[bflag:$0x2] =	sbarrier.arrive $0xFFFF  }
0x85: {  	p0 =	sne.s32 s1, $0x0;
	s0 =	rddreg [dreg:$0x2]  }
0x86: {  	s0 =	sadd.s32 @!p0 $0x100000, s0  }
0x87: {  	[sflag:s0] =	ssyncadd.tile.s32 @!p0 $0x1;
	_ =	shalt  }
.Lfunc_end2:
_tile_overlayer_lowered:
.L_overlay_start_2:
0x88: {  	(tag) =	ssettag $0x2  }
0x89: {  	s0 =	rddreg [dreg:$0x0];
	s2 =	stileid.u32  }
0x8a: {  	s1 =	rddreg [dreg:$0x1];
	p0 =	sne.s32 s2, $0x0  }
0x8b: {  	s3 =	rddreg [dreg:$0x2];
	[bflag:$0x3] =	sbarrier.arrive $0xFFFF;
	s2 =	simm.s32 @!p0 $0x1C05  }
0x8c: {  	[timem:s3], [sflag:s2] =	dma.local @!p0 [hbm:s0], s1  }
0x8d: {  	s0 =	simm.s32 @!p0 $0x5  }
0x8e: {  	_ =	swait.ge @!p0 [sflag:s0], s1  }
0x8f: {  	s1 =	ssub.s32 @!p0 $0x0, s1;
	[sflag:s0] =	ssyncset.done @!p0 $0x0  }
0x90: {  	[sflag:s0] =	ssyncadd.s32 @!p0 s1  }
0x91: {  	[bflag:$0x3] =	sbarrier.arrive $0xFFFF  }
0x92: {  	_ =	shalt  }

</sc_bundles>
